<compile_context>
chip_gen: v7x
topology: tpu7x:2x2x1
jax: 0.10.2.dev20260603
libtpu: 0.0.44.dev20260713+nightly
codegen_flags: <defaults>
</compile_context>

<pallas_src>
import functools

import jax
import jax.numpy as jnp
from jax import lax
from jax.experimental import pallas as pl
from jax.experimental.pallas import tpu as pltpu
from jax.experimental.pallas import tpu_sc as plsc

VOCAB_P1 = 100001
EMBED_DIM = 32
BATCH = 16384
_LANES = 16

_NUM_CORES = 2
_NUM_SUBCORES = 16
_CHUNK = BATCH // 4

_mesh = plsc.VectorSubcoreMesh(core_axis_name="c", subcore_axis_name="s")


@functools.partial(
    pl.kernel,
    mesh=_mesh,
    out_type=jax.ShapeDtypeStruct((EMBED_DIM, BATCH), jnp.float32),
    scratch_types=[
        pltpu.VMEM((VOCAB_P1,), jnp.float32),
        pltpu.VMEM((BATCH,), jnp.int32),
        pltpu.VMEM((_CHUNK,), jnp.float32),
        pltpu.VMEM((_CHUNK,), jnp.float32),
        pltpu.VMEM_SHARED((BATCH,), jnp.int32),
        pltpu.SemaphoreType.DMA,
        pltpu.SemaphoreType.DMA,
        pltpu.SemaphoreType.DMA,
    ],
    compiler_params=pltpu.CompilerParams(needs_layout_passes=False),
)
def _gather_feature_major(
    table_t_hbm, idx_hbm, out_t_hbm, row_v, idx_v, out0_v, out1_v,
    idx_shared, row_sem, idx_sem, out_sem,
):
    sid = lax.axis_index("s")
    dim = lax.axis_index("c") * _NUM_SUBCORES + sid
    row_cp = pltpu.async_copy(table_t_hbm.at[dim], row_v, row_sem)

    @pl.when(sid == 0)
    def _():
        pltpu.sync_copy(idx_hbm, idx_shared)

    plsc.subcore_barrier()
    idx_cp = pltpu.async_copy(idx_shared, idx_v, idx_sem)
    idx_cp.wait()
    row_cp.wait()

    out_bufs = (out0_v, out1_v)
    pending = []
    for chunk in range(4):
        out_v = out_bufs[chunk % 2]
        if len(pending) >= 2:
            pending.pop(0).wait()

        def body(k, carry, chunk=chunk, out_v=out_v):
            base = chunk * _CHUNK + k * (8 * _LANES)
            ob = k * (8 * _LANES)
            ivs = [idx_v[pl.ds(base + j * _LANES, _LANES)] for j in range(8)]
            vals = [plsc.load_gather(row_v, [iv]) for iv in ivs]
            for j in range(8):
                out_v[pl.ds(ob + j * _LANES, _LANES)] = vals[j]
            return carry

        lax.fori_loop(0, _CHUNK // (8 * _LANES), body, 0)

        pending.append(pltpu.async_copy(
            out_v, out_t_hbm.at[dim, pl.ds(chunk * _CHUNK, _CHUNK)], out_sem))
    for cp in pending:
        cp.wait()


@jax.jit
def kernel(customer_id, user_embedding_table):
    out_t = _gather_feature_major(user_embedding_table.T, customer_id)
    return out_t.T

# --- scband reference (transcript-rebuilt; emitter-appended) ---
"""Pipeline reference for scband-user-model-5643587027530 (READ-ONLY COPY).

The authoritative reference and input builder live on the scoring server;
editing this copy changes nothing except your own understanding.
"""

import jax, jax.numpy as jnp
import numpy as np

VOCAB = 100000  # unique_user_ids
EMBED_DIM = 32
BATCH = 16384

def setup_inputs(seed: int = 0) -> dict:
    key = jax.random.key(seed)
    k_idx, k_tab = jax.random.split(key)
    customer_id = jax.random.randint(k_idx, (BATCH,), 0, VOCAB, dtype=jnp.int64 if jax.config.jax_enable_x64 else jnp.int32).astype(jnp.int32)
    # Embedding table has vocab+1 rows (StringLookup OOV/index-0 handling in the original keras model)
    user_embedding_table = jax.random.normal(k_tab, (VOCAB + 1, EMBED_DIM), dtype=jnp.float32) * 0.05
    return {"customer_id": customer_id, "user_embedding_table": user_embedding_table}

def reference(customer_id, user_embedding_table):
    # StringLookup in the original maps string ids -> integer indices; here indices are given directly.
    # Embedding lookup (gather rows), then tf.concat of a single tensor along axis=1 (identity concat).
    emb = jnp.take(user_embedding_table, customer_id, axis=0)
    out = jnp.concatenate([emb], axis=1)
    return out

if __name__ == "__main__":
    import jax
    _d = setup_inputs()
    print(jax.jit(kernel)(*tuple(_d.values())))

</pallas_src>

<mosaic_0001>
#map = affine_map<(d0, d1) -> (0, 0)>
#map1 = affine_map<(d0, d1) -> (0)>
module attributes {stable_mosaic.version = 14 : i64} {
  func.func @_gather_feature_major(%arg0: i32, %arg1: i32, %arg2: memref<32x100001xf32, #tpu.memory_space<hbm>>, %arg3: memref<16384xi32, #tpu.memory_space<hbm>>, %arg4: memref<32x16384xf32, #tpu.memory_space<hbm>>, %arg5: memref<100001xf32, #tpu.memory_space<vmem>>, %arg6: memref<16384xi32, #tpu.memory_space<vmem>>, %arg7: memref<4096xf32, #tpu.memory_space<vmem>>, %arg8: memref<4096xf32, #tpu.memory_space<vmem>>, %arg9: memref<16384xi32, #tpu.memory_space<vmem_shared>>, %arg10: memref<!tpu.dma_semaphore, #tpu.memory_space<semaphore_mem>>, %arg11: memref<!tpu.dma_semaphore, #tpu.memory_space<semaphore_mem>>, %arg12: memref<!tpu.dma_semaphore, #tpu.memory_space<semaphore_mem>>) attributes {dimension_semantics = [#tpu.dimension_semantics<core_parallel>, #tpu.dimension_semantics<subcore_parallel>], iteration_bounds = array<i64: 2, 16>, scalar_prefetch = 0 : i64, scratch_operands = 8 : i64, tpu.core_type = #tpu.core_type<sc_vector_subcore>, window_params = [{transform_indices = #map}, {transform_indices = #map1}, {transform_indices = #map}]} {
    %mul3A = arith.constant 16 : i32
    %mul3A_0 = arith.muli %arg0, %mul3A : i32
    %add3A = arith.addi %mul3A_0, %arg1 : i32
    %dma_start3A = arith.constant 0 : i32
    %dma_start3A_1 = tpu.memref_slice %arg2[%add3A, %dma_start3A] : memref<32x100001xf32, #tpu.memory_space<hbm>> -> memref<1x100001xf32, #tpu.memory_space<hbm>>
    %dma_start3A_2 = tpu.memref_squeeze %dma_start3A_1 : memref<1x100001xf32, #tpu.memory_space<hbm>> -> memref<100001xf32, #tpu.memory_space<hbm>>
    %dma_start3A_3 = arith.constant 0 : i32
    %dma_start3A_4 = tpu.memref_slice %arg2[%add3A, %dma_start3A_3] : memref<32x100001xf32, #tpu.memory_space<hbm>> -> memref<1x100001xf32, #tpu.memory_space<hbm>>
    %dma_start3A_5 = tpu.memref_squeeze %dma_start3A_4 : memref<1x100001xf32, #tpu.memory_space<hbm>> -> memref<100001xf32, #tpu.memory_space<hbm>>
    tpu.enqueue_dma source(%dma_start3A_5 : memref<100001xf32, #tpu.memory_space<hbm>>) target(%arg5 : memref<100001xf32, #tpu.memory_space<vmem>>) target_semaphore(%arg10 : memref<!tpu.dma_semaphore, #tpu.memory_space<semaphore_mem>>)
    %eq3A = arith.constant 0 : i32
    %eq3A_6 = arith.cmpi eq, %arg1, %eq3A : i32
    %convert_element_type3A = arith.extui %eq3A_6 : i1 to i32
    %cond3A = arith.constant 0 : i32
    %cond3A_7 = arith.cmpi ne, %convert_element_type3A, %cond3A : i32
    scf.if %cond3A_7 {
      "tpu.region"() ({
        %run_scoped3A = tpu.sem_alloc : memref<!tpu.dma_semaphore, #tpu.memory_space<semaphore_mem>>
        tpu.enqueue_dma source(%arg3 : memref<16384xi32, #tpu.memory_space<hbm>>) target(%arg9 : memref<16384xi32, #tpu.memory_space<vmem_shared>>) target_semaphore(%run_scoped3A : memref<!tpu.dma_semaphore, #tpu.memory_space<semaphore_mem>>)
        tpu.wait_dma2 semaphore(%run_scoped3A : memref<!tpu.dma_semaphore, #tpu.memory_space<semaphore_mem>>) src(%arg3 : memref<16384xi32, #tpu.memory_space<hbm>>) dst(%arg9 : memref<16384xi32, #tpu.memory_space<vmem_shared>>)
        tpu.yield
      }) : () -> ()
    } else {
    }
    %barrier3A = arith.constant 0 : index
    tpu.barrier barrier_id(%barrier3A)
    tpu.enqueue_dma source(%arg9 : memref<16384xi32, #tpu.memory_space<vmem_shared>>) target(%arg6 : memref<16384xi32, #tpu.memory_space<vmem>>) target_semaphore(%arg11 : memref<!tpu.dma_semaphore, #tpu.memory_space<semaphore_mem>>)
    tpu.wait_dma2 semaphore(%arg11 : memref<!tpu.dma_semaphore, #tpu.memory_space<semaphore_mem>>) src(%arg9 : memref<16384xi32, #tpu.memory_space<vmem_shared>>) dst(%arg6 : memref<16384xi32, #tpu.memory_space<vmem>>)
    %dma_wait3A = arith.constant 0 : i32
    %dma_wait3A_8 = tpu.memref_slice %arg2[%add3A, %dma_wait3A] : memref<32x100001xf32, #tpu.memory_space<hbm>> -> memref<1x100001xf32, #tpu.memory_space<hbm>>
    %dma_wait3A_9 = tpu.memref_squeeze %dma_wait3A_8 : memref<1x100001xf32, #tpu.memory_space<hbm>> -> memref<100001xf32, #tpu.memory_space<hbm>>
    %dma_wait3A_10 = arith.constant 0 : i32
    %dma_wait3A_11 = tpu.memref_slice %arg2[%add3A, %dma_wait3A_10] : memref<32x100001xf32, #tpu.memory_space<hbm>> -> memref<1x100001xf32, #tpu.memory_space<hbm>>
    %dma_wait3A_12 = tpu.memref_squeeze %dma_wait3A_11 : memref<1x100001xf32, #tpu.memory_space<hbm>> -> memref<100001xf32, #tpu.memory_space<hbm>>
    tpu.wait_dma2 semaphore(%arg10 : memref<!tpu.dma_semaphore, #tpu.memory_space<semaphore_mem>>) src(%dma_wait3A_12 : memref<100001xf32, #tpu.memory_space<hbm>>) dst(%arg5 : memref<100001xf32, #tpu.memory_space<vmem>>)
    %scan3A = arith.constant 0 : i32
    %scan3A_13 = arith.constant 0 : i32
    %scan3A_14 = arith.constant 32 : i32
    %scan3A_15 = arith.addi %scan3A_13, %scan3A_14 : i32
    %scan3A_16 = arith.constant 1 : i32
    scf.for %scan3A_84 = %scan3A_13 to %scan3A_15 step %scan3A_16  : i32 {
      %mul3A_85 = arith.constant 128 : i32
      %mul3A_86 = arith.muli %scan3A_84, %mul3A_85 : i32
      %add3A_87 = arith.constant 0 : i32
      %add3A_88 = arith.addi %add3A_87, %mul3A_86 : i32
      %mul3A_89 = arith.constant 128 : i32
      %mul3A_90 = arith.muli %scan3A_84, %mul3A_89 : i32
      %add3A_91 = arith.constant 0 : i32
      %add3A_92 = arith.addi %add3A_88, %add3A_91 : i32
      %get3A = arith.index_cast %add3A_92 : i32 to index
      %get3A_93 = tpu.vector_load %arg6[%get3A] {strides = array<i32>} : memref<16384xi32, #tpu.memory_space<vmem>>, vector<16xi32>,
      %add3A_94 = arith.constant 16 : i32
      %add3A_95 = arith.addi %add3A_88, %add3A_94 : i32
      %get3A_96 = arith.index_cast %add3A_95 : i32 to index
      %get3A_97 = tpu.vector_load %arg6[%get3A_96] {strides = array<i32>} : memref<16384xi32, #tpu.memory_space<vmem>>, vector<16xi32>,
      %add3A_98 = arith.constant 32 : i32
      %add3A_99 = arith.addi %add3A_88, %add3A_98 : i32
      %get3A_100 = arith.index_cast %add3A_99 : i32 to index
      %get3A_101 = tpu.vector_load %arg6[%get3A_100] {strides = array<i32>} : memref<16384xi32, #tpu.memory_space<vmem>>, vector<16xi32>,
      %add3A_102 = arith.constant 48 : i32
      %add3A_103 = arith.addi %add3A_88, %add3A_102 : i32
      %get3A_104 = arith.index_cast %add3A_103 : i32 to index
      %get3A_105 = tpu.vector_load %arg6[%get3A_104] {strides = array<i32>} : memref<16384xi32, #tpu.memory_space<vmem>>, vector<16xi32>,
      %add3A_106 = arith.constant 64 : i32
      %add3A_107 = arith.addi %add3A_88, %add3A_106 : i32
      %get3A_108 = arith.index_cast %add3A_107 : i32 to index
      %get3A_109 = tpu.vector_load %arg6[%get3A_108] {strides = array<i32>} : memref<16384xi32, #tpu.memory_space<vmem>>, vector<16xi32>,
      %add3A_110 = arith.constant 80 : i32
      %add3A_111 = arith.addi %add3A_88, %add3A_110 : i32
      %get3A_112 = arith.index_cast %add3A_111 : i32 to index
      %get3A_113 = tpu.vector_load %arg6[%get3A_112] {strides = array<i32>} : memref<16384xi32, #tpu.memory_space<vmem>>, vector<16xi32>,
      %add3A_114 = arith.constant 96 : i32
      %add3A_115 = arith.addi %add3A_88, %add3A_114 : i32
      %get3A_116 = arith.index_cast %add3A_115 : i32 to index
      %get3A_117 = tpu.vector_load %arg6[%get3A_116] {strides = array<i32>} : memref<16384xi32, #tpu.memory_space<vmem>>, vector<16xi32>,
      %add3A_118 = arith.constant 112 : i32
      %add3A_119 = arith.addi %add3A_88, %add3A_118 : i32
      %get3A_120 = arith.index_cast %add3A_119 : i32 to index
      %get3A_121 = tpu.vector_load %arg6[%get3A_120] {strides = array<i32>} : memref<16384xi32, #tpu.memory_space<vmem>>, vector<16xi32>,
      %gather3A = tpu.vector_load_idx %arg5[%get3A_93] : memref<100001xf32, #tpu.memory_space<vmem>>[vector<16xi32>], vector<16xf32>,
      %gather3A_122 = tpu.vector_load_idx %arg5[%get3A_97] : memref<100001xf32, #tpu.memory_space<vmem>>[vector<16xi32>], vector<16xf32>,
      %gather3A_123 = tpu.vector_load_idx %arg5[%get3A_101] : memref<100001xf32, #tpu.memory_space<vmem>>[vector<16xi32>], vector<16xf32>,
      %gather3A_124 = tpu.vector_load_idx %arg5[%get3A_105] : memref<100001xf32, #tpu.memory_space<vmem>>[vector<16xi32>], vector<16xf32>,
      %gather3A_125 = tpu.vector_load_idx %arg5[%get3A_109] : memref<100001xf32, #tpu.memory_space<vmem>>[vector<16xi32>], vector<16xf32>,
      %gather3A_126 = tpu.vector_load_idx %arg5[%get3A_113] : memref<100001xf32, #tpu.memory_space<vmem>>[vector<16xi32>], vector<16xf32>,
      %gather3A_127 = tpu.vector_load_idx %arg5[%get3A_117] : memref<100001xf32, #tpu.memory_space<vmem>>[vector<16xi32>], vector<16xf32>,
      %gather3A_128 = tpu.vector_load_idx %arg5[%get3A_121] : memref<100001xf32, #tpu.memory_space<vmem>>[vector<16xi32>], vector<16xf32>,
      %add3A_129 = arith.constant 0 : i32
      %add3A_130 = arith.addi %mul3A_90, %add3A_129 : i32
      %swap3A = arith.index_cast %add3A_130 : i32 to index
      %swap3A_131 = tpu.vector_load %arg7[%swap3A] {strides = array<i32>} : memref<4096xf32, #tpu.memory_space<vmem>>, vector<16xf32>,
      tpu.vector_store %arg7[%swap3A], %gather3A {strides = array<i32>} : memref<4096xf32, #tpu.memory_space<vmem>>, vector<16xf32>,
      %add3A_132 = arith.constant 16 : i32
      %add3A_133 = arith.addi %mul3A_90, %add3A_132 : i32
      %swap3A_134 = arith.index_cast %add3A_133 : i32 to index
      %swap3A_135 = tpu.vector_load %arg7[%swap3A_134] {strides = array<i32>} : memref<4096xf32, #tpu.memory_space<vmem>>, vector<16xf32>,
      tpu.vector_store %arg7[%swap3A_134], %gather3A_122 {strides = array<i32>} : memref<4096xf32, #tpu.memory_space<vmem>>, vector<16xf32>,
      %add3A_136 = arith.constant 32 : i32
      %add3A_137 = arith.addi %mul3A_90, %add3A_136 : i32
      %swap3A_138 = arith.index_cast %add3A_137 : i32 to index
      %swap3A_139 = tpu.vector_load %arg7[%swap3A_138] {strides = array<i32>} : memref<4096xf32, #tpu.memory_space<vmem>>, vector<16xf32>,
      tpu.vector_store %arg7[%swap3A_138], %gather3A_123 {strides = array<i32>} : memref<4096xf32, #tpu.memory_space<vmem>>, vector<16xf32>,
      %add3A_140 = arith.constant 48 : i32
      %add3A_141 = arith.addi %mul3A_90, %add3A_140 : i32
      %swap3A_142 = arith.index_cast %add3A_141 : i32 to index
      %swap3A_143 = tpu.vector_load %arg7[%swap3A_142] {strides = array<i32>} : memref<4096xf32, #tpu.memory_space<vmem>>, vector<16xf32>,
      tpu.vector_store %arg7[%swap3A_142], %gather3A_124 {strides = array<i32>} : memref<4096xf32, #tpu.memory_space<vmem>>, vector<16xf32>,
      %add3A_144 = arith.constant 64 : i32
      %add3A_145 = arith.addi %mul3A_90, %add3A_144 : i32
      %swap3A_146 = arith.index_cast %add3A_145 : i32 to index
      %swap3A_147 = tpu.vector_load %arg7[%swap3A_146] {strides = array<i32>} : memref<4096xf32, #tpu.memory_space<vmem>>, vector<16xf32>,
      tpu.vector_store %arg7[%swap3A_146], %gather3A_125 {strides = array<i32>} : memref<4096xf32, #tpu.memory_space<vmem>>, vector<16xf32>,
      %add3A_148 = arith.constant 80 : i32
      %add3A_149 = arith.addi %mul3A_90, %add3A_148 : i32
      %swap3A_150 = arith.index_cast %add3A_149 : i32 to index
      %swap3A_151 = tpu.vector_load %arg7[%swap3A_150] {strides = array<i32>} : memref<4096xf32, #tpu.memory_space<vmem>>, vector<16xf32>,
      tpu.vector_store %arg7[%swap3A_150], %gather3A_126 {strides = array<i32>} : memref<4096xf32, #tpu.memory_space<vmem>>, vector<16xf32>,
      %add3A_152 = arith.constant 96 : i32
      %add3A_153 = arith.addi %mul3A_90, %add3A_152 : i32
      %swap3A_154 = arith.index_cast %add3A_153 : i32 to index
      %swap3A_155 = tpu.vector_load %arg7[%swap3A_154] {strides = array<i32>} : memref<4096xf32, #tpu.memory_space<vmem>>, vector<16xf32>,
      tpu.vector_store %arg7[%swap3A_154], %gather3A_127 {strides = array<i32>} : memref<4096xf32, #tpu.memory_space<vmem>>, vector<16xf32>,
      %add3A_156 = arith.constant 112 : i32
      %add3A_157 = arith.addi %mul3A_90, %add3A_156 : i32
      %swap3A_158 = arith.index_cast %add3A_157 : i32 to index
      %swap3A_159 = tpu.vector_load %arg7[%swap3A_158] {strides = array<i32>} : memref<4096xf32, #tpu.memory_space<vmem>>, vector<16xf32>,
      tpu.vector_store %arg7[%swap3A_158], %gather3A_128 {strides = array<i32>} : memref<4096xf32, #tpu.memory_space<vmem>>, vector<16xf32>,
    }
    %scan3A_17 = arith.constant 32 : i32
    %dma_start3A_18 = arith.constant 0 : i32
    %dma_start3A_19 = tpu.memref_slice %arg4[%add3A, %dma_start3A_18] : memref<32x16384xf32, #tpu.memory_space<hbm>> -> memref<1x4096xf32, #tpu.memory_space<hbm>>
    %dma_start3A_20 = tpu.memref_squeeze %dma_start3A_19 : memref<1x4096xf32, #tpu.memory_space<hbm>> -> memref<4096xf32, #tpu.memory_space<hbm>>
    %dma_start3A_21 = arith.constant 0 : i32
    %dma_start3A_22 = tpu.memref_slice %arg4[%add3A, %dma_start3A_21] : memref<32x16384xf32, #tpu.memory_space<hbm>> -> memref<1x4096xf32, #tpu.memory_space<hbm>>
    %dma_start3A_23 = tpu.memref_squeeze %dma_start3A_22 : memref<1x4096xf32, #tpu.memory_space<hbm>> -> memref<4096xf32, #tpu.memory_space<hbm>>
    tpu.enqueue_dma source(%arg7 : memref<4096xf32, #tpu.memory_space<vmem>>) target(%dma_start3A_23 : memref<4096xf32, #tpu.memory_space<hbm>>) target_semaphore(%arg12 : memref<!tpu.dma_semaphore, #tpu.memory_space<semaphore_mem>>)
    %scan3A_24 = arith.constant 0 : i32
    %scan3A_25 = arith.constant 0 : i32
    %scan3A_26 = arith.constant 32 : i32
    %scan3A_27 = arith.addi %scan3A_25, %scan3A_26 : i32
    %scan3A_28 = arith.constant 1 : i32
    scf.for %scan3A_84 = %scan3A_25 to %scan3A_27 step %scan3A_28  : i32 {
      %mul3A_85 = arith.constant 128 : i32
      %mul3A_86 = arith.muli %scan3A_84, %mul3A_85 : i32
      %add3A_87 = arith.constant 4096 : i32
      %add3A_88 = arith.addi %add3A_87, %mul3A_86 : i32
      %mul3A_89 = arith.constant 128 : i32
      %mul3A_90 = arith.muli %scan3A_84, %mul3A_89 : i32
      %add3A_91 = arith.constant 0 : i32
      %add3A_92 = arith.addi %add3A_88, %add3A_91 : i32
      %get3A = arith.index_cast %add3A_92 : i32 to index
      %get3A_93 = tpu.vector_load %arg6[%get3A] {strides = array<i32>} : memref<16384xi32, #tpu.memory_space<vmem>>, vector<16xi32>,
      %add3A_94 = arith.constant 16 : i32
      %add3A_95 = arith.addi %add3A_88, %add3A_94 : i32
      %get3A_96 = arith.index_cast %add3A_95 : i32 to index
      %get3A_97 = tpu.vector_load %arg6[%get3A_96] {strides = array<i32>} : memref<16384xi32, #tpu.memory_space<vmem>>, vector<16xi32>,
      %add3A_98 = arith.constant 32 : i32
      %add3A_99 = arith.addi %add3A_88, %add3A_98 : i32
      %get3A_100 = arith.index_cast %add3A_99 : i32 to index
      %get3A_101 = tpu.vector_load %arg6[%get3A_100] {strides = array<i32>} : memref<16384xi32, #tpu.memory_space<vmem>>, vector<16xi32>,
      %add3A_102 = arith.constant 48 : i32
      %add3A_103 = arith.addi %add3A_88, %add3A_102 : i32
      %get3A_104 = arith.index_cast %add3A_103 : i32 to index
      %get3A_105 = tpu.vector_load %arg6[%get3A_104] {strides = array<i32>} : memref<16384xi32, #tpu.memory_space<vmem>>, vector<16xi32>,
      %add3A_106 = arith.constant 64 : i32
      %add3A_107 = arith.addi %add3A_88, %add3A_106 : i32
      %get3A_108 = arith.index_cast %add3A_107 : i32 to index
      %get3A_109 = tpu.vector_load %arg6[%get3A_108] {strides = array<i32>} : memref<16384xi32, #tpu.memory_space<vmem>>, vector<16xi32>,
      %add3A_110 = arith.constant 80 : i32
      %add3A_111 = arith.addi %add3A_88, %add3A_110 : i32
      %get3A_112 = arith.index_cast %add3A_111 : i32 to index
      %get3A_113 = tpu.vector_load %arg6[%get3A_112] {strides = array<i32>} : memref<16384xi32, #tpu.memory_space<vmem>>, vector<16xi32>,
      %add3A_114 = arith.constant 96 : i32
      %add3A_115 = arith.addi %add3A_88, %add3A_114 : i32
      %get3A_116 = arith.index_cast %add3A_115 : i32 to index
      %get3A_117 = tpu.vector_load %arg6[%get3A_116] {strides = array<i32>} : memref<16384xi32, #tpu.memory_space<vmem>>, vector<16xi32>,
      %add3A_118 = arith.constant 112 : i32
      %add3A_119 = arith.addi %add3A_88, %add3A_118 : i32
      %get3A_120 = arith.index_cast %add3A_119 : i32 to index
      %get3A_121 = tpu.vector_load %arg6[%get3A_120] {strides = array<i32>} : memref<16384xi32, #tpu.memory_space<vmem>>, vector<16xi32>,
      %gather3A = tpu.vector_load_idx %arg5[%get3A_93] : memref<100001xf32, #tpu.memory_space<vmem>>[vector<16xi32>], vector<16xf32>,
      %gather3A_122 = tpu.vector_load_idx %arg5[%get3A_97] : memref<100001xf32, #tpu.memory_space<vmem>>[vector<16xi32>], vector<16xf32>,
      %gather3A_123 = tpu.vector_load_idx %arg5[%get3A_101] : memref<100001xf32, #tpu.memory_space<vmem>>[vector<16xi32>], vector<16xf32>,
      %gather3A_124 = tpu.vector_load_idx %arg5[%get3A_105] : memref<100001xf32, #tpu.memory_space<vmem>>[vector<16xi32>], vector<16xf32>,
      %gather3A_125 = tpu.vector_load_idx %arg5[%get3A_109] : memref<100001xf32, #tpu.memory_space<vmem>>[vector<16xi32>], vector<16xf32>,
      %gather3A_126 = tpu.vector_load_idx %arg5[%get3A_113] : memref<100001xf32, #tpu.memory_space<vmem>>[vector<16xi32>], vector<16xf32>,
      %gather3A_127 = tpu.vector_load_idx %arg5[%get3A_117] : memref<100001xf32, #tpu.memory_space<vmem>>[vector<16xi32>], vector<16xf32>,
      %gather3A_128 = tpu.vector_load_idx %arg5[%get3A_121] : memref<100001xf32, #tpu.memory_space<vmem>>[vector<16xi32>], vector<16xf32>,
      %add3A_129 = arith.constant 0 : i32
      %add3A_130 = arith.addi %mul3A_90, %add3A_129 : i32
      %swap3A = arith.index_cast %add3A_130 : i32 to index
      %swap3A_131 = tpu.vector_load %arg8[%swap3A] {strides = array<i32>} : memref<4096xf32, #tpu.memory_space<vmem>>, vector<16xf32>,
      tpu.vector_store %arg8[%swap3A], %gather3A {strides = array<i32>} : memref<4096xf32, #tpu.memory_space<vmem>>, vector<16xf32>,
      %add3A_132 = arith.constant 16 : i32
      %add3A_133 = arith.addi %mul3A_90, %add3A_132 : i32
      %swap3A_134 = arith.index_cast %add3A_133 : i32 to index
      %swap3A_135 = tpu.vector_load %arg8[%swap3A_134] {strides = array<i32>} : memref<4096xf32, #tpu.memory_space<vmem>>, vector<16xf32>,
      tpu.vector_store %arg8[%swap3A_134], %gather3A_122 {strides = array<i32>} : memref<4096xf32, #tpu.memory_space<vmem>>, vector<16xf32>,
      %add3A_136 = arith.constant 32 : i32
      %add3A_137 = arith.addi %mul3A_90, %add3A_136 : i32
      %swap3A_138 = arith.index_cast %add3A_137 : i32 to index
      %swap3A_139 = tpu.vector_load %arg8[%swap3A_138] {strides = array<i32>} : memref<4096xf32, #tpu.memory_space<vmem>>, vector<16xf32>,
      tpu.vector_store %arg8[%swap3A_138], %gather3A_123 {strides = array<i32>} : memref<4096xf32, #tpu.memory_space<vmem>>, vector<16xf32>,
      %add3A_140 = arith.constant 48 : i32
      %add3A_141 = arith.addi %mul3A_90, %add3A_140 : i32
      %swap3A_142 = arith.index_cast %add3A_141 : i32 to index
      %swap3A_143 = tpu.vector_load %arg8[%swap3A_142] {strides = array<i32>} : memref<4096xf32, #tpu.memory_space<vmem>>, vector<16xf32>,
      tpu.vector_store %arg8[%swap3A_142], %gather3A_124 {strides = array<i32>} : memref<4096xf32, #tpu.memory_space<vmem>>, vector<16xf32>,
      %add3A_144 = arith.constant 64 : i32
      %add3A_145 = arith.addi %mul3A_90, %add3A_144 : i32
      %swap3A_146 = arith.index_cast %add3A_145 : i32 to index
      %swap3A_147 = tpu.vector_load %arg8[%swap3A_146] {strides = array<i32>} : memref<4096xf32, #tpu.memory_space<vmem>>, vector<16xf32>,
      tpu.vector_store %arg8[%swap3A_146], %gather3A_125 {strides = array<i32>} : memref<4096xf32, #tpu.memory_space<vmem>>, vector<16xf32>,
      %add3A_148 = arith.constant 80 : i32
      %add3A_149 = arith.addi %mul3A_90, %add3A_148 : i32
      %swap3A_150 = arith.index_cast %add3A_149 : i32 to index
      %swap3A_151 = tpu.vector_load %arg8[%swap3A_150] {strides = array<i32>} : memref<4096xf32, #tpu.memory_space<vmem>>, vector<16xf32>,
      tpu.vector_store %arg8[%swap3A_150], %gather3A_126 {strides = array<i32>} : memref<4096xf32, #tpu.memory_space<vmem>>, vector<16xf32>,
      %add3A_152 = arith.constant 96 : i32
      %add3A_153 = arith.addi %mul3A_90, %add3A_152 : i32
      %swap3A_154 = arith.index_cast %add3A_153 : i32 to index
      %swap3A_155 = tpu.vector_load %arg8[%swap3A_154] {strides = array<i32>} : memref<4096xf32, #tpu.memory_space<vmem>>, vector<16xf32>,
      tpu.vector_store %arg8[%swap3A_154], %gather3A_127 {strides = array<i32>} : memref<4096xf32, #tpu.memory_space<vmem>>, vector<16xf32>,
      %add3A_156 = arith.constant 112 : i32
      %add3A_157 = arith.addi %mul3A_90, %add3A_156 : i32
      %swap3A_158 = arith.index_cast %add3A_157 : i32 to index
      %swap3A_159 = tpu.vector_load %arg8[%swap3A_158] {strides = array<i32>} : memref<4096xf32, #tpu.memory_space<vmem>>, vector<16xf32>,
      tpu.vector_store %arg8[%swap3A_158], %gather3A_128 {strides = array<i32>} : memref<4096xf32, #tpu.memory_space<vmem>>, vector<16xf32>,
    }
    %scan3A_29 = arith.constant 32 : i32
    %dma_start3A_30 = arith.constant 4096 : i32
    %dma_start3A_31 = tpu.memref_slice %arg4[%add3A, %dma_start3A_30] : memref<32x16384xf32, #tpu.memory_space<hbm>> -> memref<1x4096xf32, #tpu.memory_space<hbm>>
    %dma_start3A_32 = tpu.memref_squeeze %dma_start3A_31 : memref<1x4096xf32, #tpu.memory_space<hbm>> -> memref<4096xf32, #tpu.memory_space<hbm>>
    %dma_start3A_33 = arith.constant 4096 : i32
    %dma_start3A_34 = tpu.memref_slice %arg4[%add3A, %dma_start3A_33] : memref<32x16384xf32, #tpu.memory_space<hbm>> -> memref<1x4096xf32, #tpu.memory_space<hbm>>
    %dma_start3A_35 = tpu.memref_squeeze %dma_start3A_34 : memref<1x4096xf32, #tpu.memory_space<hbm>> -> memref<4096xf32, #tpu.memory_space<hbm>>
    tpu.enqueue_dma source(%arg8 : memref<4096xf32, #tpu.memory_space<vmem>>) target(%dma_start3A_35 : memref<4096xf32, #tpu.memory_space<hbm>>) target_semaphore(%arg12 : memref<!tpu.dma_semaphore, #tpu.memory_space<semaphore_mem>>)
    %dma_wait3A_36 = arith.constant 0 : i32
    %dma_wait3A_37 = tpu.memref_slice %arg4[%add3A, %dma_wait3A_36] : memref<32x16384xf32, #tpu.memory_space<hbm>> -> memref<1x4096xf32, #tpu.memory_space<hbm>>
    %dma_wait3A_38 = tpu.memref_squeeze %dma_wait3A_37 : memref<1x4096xf32, #tpu.memory_space<hbm>> -> memref<4096xf32, #tpu.memory_space<hbm>>
    %dma_wait3A_39 = arith.constant 0 : i32
    %dma_wait3A_40 = tpu.memref_slice %arg4[%add3A, %dma_wait3A_39] : memref<32x16384xf32, #tpu.memory_space<hbm>> -> memref<1x4096xf32, #tpu.memory_space<hbm>>
    %dma_wait3A_41 = tpu.memref_squeeze %dma_wait3A_40 : memref<1x4096xf32, #tpu.memory_space<hbm>> -> memref<4096xf32, #tpu.memory_space<hbm>>
    tpu.wait_dma2 semaphore(%arg12 : memref<!tpu.dma_semaphore, #tpu.memory_space<semaphore_mem>>) src(%arg7 : memref<4096xf32, #tpu.memory_space<vmem>>) dst(%dma_wait3A_41 : memref<4096xf32, #tpu.memory_space<hbm>>)
    %scan3A_42 = arith.constant 0 : i32
    %scan3A_43 = arith.constant 0 : i32
    %scan3A_44 = arith.constant 32 : i32
    %scan3A_45 = arith.addi %scan3A_43, %scan3A_44 : i32
    %scan3A_46 = arith.constant 1 : i32
    scf.for %scan3A_84 = %scan3A_43 to %scan3A_45 step %scan3A_46  : i32 {
      %mul3A_85 = arith.constant 128 : i32
      %mul3A_86 = arith.muli %scan3A_84, %mul3A_85 : i32
      %add3A_87 = arith.constant 8192 : i32
      %add3A_88 = arith.addi %add3A_87, %mul3A_86 : i32
      %mul3A_89 = arith.constant 128 : i32
      %mul3A_90 = arith.muli %scan3A_84, %mul3A_89 : i32
      %add3A_91 = arith.constant 0 : i32
      %add3A_92 = arith.addi %add3A_88, %add3A_91 : i32
      %get3A = arith.index_cast %add3A_92 : i32 to index
      %get3A_93 = tpu.vector_load %arg6[%get3A] {strides = array<i32>} : memref<16384xi32, #tpu.memory_space<vmem>>, vector<16xi32>,
      %add3A_94 = arith.constant 16 : i32
      %add3A_95 = arith.addi %add3A_88, %add3A_94 : i32
      %get3A_96 = arith.index_cast %add3A_95 : i32 to index
      %get3A_97 = tpu.vector_load %arg6[%get3A_96] {strides = array<i32>} : memref<16384xi32, #tpu.memory_space<vmem>>, vector<16xi32>,
      %add3A_98 = arith.constant 32 : i32
      %add3A_99 = arith.addi %add3A_88, %add3A_98 : i32
      %get3A_100 = arith.index_cast %add3A_99 : i32 to index
      %get3A_101 = tpu.vector_load %arg6[%get3A_100] {strides = array<i32>} : memref<16384xi32, #tpu.memory_space<vmem>>, vector<16xi32>,
      %add3A_102 = arith.constant 48 : i32
      %add3A_103 = arith.addi %add3A_88, %add3A_102 : i32
      %get3A_104 = arith.index_cast %add3A_103 : i32 to index
      %get3A_105 = tpu.vector_load %arg6[%get3A_104] {strides = array<i32>} : memref<16384xi32, #tpu.memory_space<vmem>>, vector<16xi32>,
      %add3A_106 = arith.constant 64 : i32
      %add3A_107 = arith.addi %add3A_88, %add3A_106 : i32
      %get3A_108 = arith.index_cast %add3A_107 : i32 to index
      %get3A_109 = tpu.vector_load %arg6[%get3A_108] {strides = array<i32>} : memref<16384xi32, #tpu.memory_space<vmem>>, vector<16xi32>,
      %add3A_110 = arith.constant 80 : i32
      %add3A_111 = arith.addi %add3A_88, %add3A_110 : i32
      %get3A_112 = arith.index_cast %add3A_111 : i32 to index
      %get3A_113 = tpu.vector_load %arg6[%get3A_112] {strides = array<i32>} : memref<16384xi32, #tpu.memory_space<vmem>>, vector<16xi32>,
      %add3A_114 = arith.constant 96 : i32
      %add3A_115 = arith.addi %add3A_88, %add3A_114 : i32
      %get3A_116 = arith.index_cast %add3A_115 : i32 to index
      %get3A_117 = tpu.vector_load %arg6[%get3A_116] {strides = array<i32>} : memref<16384xi32, #tpu.memory_space<vmem>>, vector<16xi32>,
      %add3A_118 = arith.constant 112 : i32
      %add3A_119 = arith.addi %add3A_88, %add3A_118 : i32
      %get3A_120 = arith.index_cast %add3A_119 : i32 to index
      %get3A_121 = tpu.vector_load %arg6[%get3A_120] {strides = array<i32>} : memref<16384xi32, #tpu.memory_space<vmem>>, vector<16xi32>,
      %gather3A = tpu.vector_load_idx %arg5[%get3A_93] : memref<100001xf32, #tpu.memory_space<vmem>>[vector<16xi32>], vector<16xf32>,
      %gather3A_122 = tpu.vector_load_idx %arg5[%get3A_97] : memref<100001xf32, #tpu.memory_space<vmem>>[vector<16xi32>], vector<16xf32>,
      %gather3A_123 = tpu.vector_load_idx %arg5[%get3A_101] : memref<100001xf32, #tpu.memory_space<vmem>>[vector<16xi32>], vector<16xf32>,
      %gather3A_124 = tpu.vector_load_idx %arg5[%get3A_105] : memref<100001xf32, #tpu.memory_space<vmem>>[vector<16xi32>], vector<16xf32>,
      %gather3A_125 = tpu.vector_load_idx %arg5[%get3A_109] : memref<100001xf32, #tpu.memory_space<vmem>>[vector<16xi32>], vector<16xf32>,
      %gather3A_126 = tpu.vector_load_idx %arg5[%get3A_113] : memref<100001xf32, #tpu.memory_space<vmem>>[vector<16xi32>], vector<16xf32>,
      %gather3A_127 = tpu.vector_load_idx %arg5[%get3A_117] : memref<100001xf32, #tpu.memory_space<vmem>>[vector<16xi32>], vector<16xf32>,
      %gather3A_128 = tpu.vector_load_idx %arg5[%get3A_121] : memref<100001xf32, #tpu.memory_space<vmem>>[vector<16xi32>], vector<16xf32>,
      %add3A_129 = arith.constant 0 : i32
      %add3A_130 = arith.addi %mul3A_90, %add3A_129 : i32
      %swap3A = arith.index_cast %add3A_130 : i32 to index
      %swap3A_131 = tpu.vector_load %arg7[%swap3A] {strides = array<i32>} : memref<4096xf32, #tpu.memory_space<vmem>>, vector<16xf32>,
      tpu.vector_store %arg7[%swap3A], %gather3A {strides = array<i32>} : memref<4096xf32, #tpu.memory_space<vmem>>, vector<16xf32>,
      %add3A_132 = arith.constant 16 : i32
      %add3A_133 = arith.addi %mul3A_90, %add3A_132 : i32
      %swap3A_134 = arith.index_cast %add3A_133 : i32 to index
      %swap3A_135 = tpu.vector_load %arg7[%swap3A_134] {strides = array<i32>} : memref<4096xf32, #tpu.memory_space<vmem>>, vector<16xf32>,
      tpu.vector_store %arg7[%swap3A_134], %gather3A_122 {strides = array<i32>} : memref<4096xf32, #tpu.memory_space<vmem>>, vector<16xf32>,
      %add3A_136 = arith.constant 32 : i32
      %add3A_137 = arith.addi %mul3A_90, %add3A_136 : i32
      %swap3A_138 = arith.index_cast %add3A_137 : i32 to index
      %swap3A_139 = tpu.vector_load %arg7[%swap3A_138] {strides = array<i32>} : memref<4096xf32, #tpu.memory_space<vmem>>, vector<16xf32>,
      tpu.vector_store %arg7[%swap3A_138], %gather3A_123 {strides = array<i32>} : memref<4096xf32, #tpu.memory_space<vmem>>, vector<16xf32>,
      %add3A_140 = arith.constant 48 : i32
      %add3A_141 = arith.addi %mul3A_90, %add3A_140 : i32
      %swap3A_142 = arith.index_cast %add3A_141 : i32 to index
      %swap3A_143 = tpu.vector_load %arg7[%swap3A_142] {strides = array<i32>} : memref<4096xf32, #tpu.memory_space<vmem>>, vector<16xf32>,
      tpu.vector_store %arg7[%swap3A_142], %gather3A_124 {strides = array<i32>} : memref<4096xf32, #tpu.memory_space<vmem>>, vector<16xf32>,
      %add3A_144 = arith.constant 64 : i32
      %add3A_145 = arith.addi %mul3A_90, %add3A_144 : i32
      %swap3A_146 = arith.index_cast %add3A_145 : i32 to index
      %swap3A_147 = tpu.vector_load %arg7[%swap3A_146] {strides = array<i32>} : memref<4096xf32, #tpu.memory_space<vmem>>, vector<16xf32>,
      tpu.vector_store %arg7[%swap3A_146], %gather3A_125 {strides = array<i32>} : memref<4096xf32, #tpu.memory_space<vmem>>, vector<16xf32>,
      %add3A_148 = arith.constant 80 : i32
      %add3A_149 = arith.addi %mul3A_90, %add3A_148 : i32
      %swap3A_150 = arith.index_cast %add3A_149 : i32 to index
      %swap3A_151 = tpu.vector_load %arg7[%swap3A_150] {strides = array<i32>} : memref<4096xf32, #tpu.memory_space<vmem>>, vector<16xf32>,
      tpu.vector_store %arg7[%swap3A_150], %gather3A_126 {strides = array<i32>} : memref<4096xf32, #tpu.memory_space<vmem>>, vector<16xf32>,
      %add3A_152 = arith.constant 96 : i32
      %add3A_153 = arith.addi %mul3A_90, %add3A_152 : i32
      %swap3A_154 = arith.index_cast %add3A_153 : i32 to index
      %swap3A_155 = tpu.vector_load %arg7[%swap3A_154] {strides = array<i32>} : memref<4096xf32, #tpu.memory_space<vmem>>, vector<16xf32>,
      tpu.vector_store %arg7[%swap3A_154], %gather3A_127 {strides = array<i32>} : memref<4096xf32, #tpu.memory_space<vmem>>, vector<16xf32>,
      %add3A_156 = arith.constant 112 : i32
      %add3A_157 = arith.addi %mul3A_90, %add3A_156 : i32
      %swap3A_158 = arith.index_cast %add3A_157 : i32 to index
      %swap3A_159 = tpu.vector_load %arg7[%swap3A_158] {strides = array<i32>} : memref<4096xf32, #tpu.memory_space<vmem>>, vector<16xf32>,
      tpu.vector_store %arg7[%swap3A_158], %gather3A_128 {strides = array<i32>} : memref<4096xf32, #tpu.memory_space<vmem>>, vector<16xf32>,
    }
    %scan3A_47 = arith.constant 32 : i32
    %dma_start3A_48 = arith.constant 8192 : i32
    %dma_start3A_49 = tpu.memref_slice %arg4[%add3A, %dma_start3A_48] : memref<32x16384xf32, #tpu.memory_space<hbm>> -> memref<1x4096xf32, #tpu.memory_space<hbm>>
    %dma_start3A_50 = tpu.memref_squeeze %dma_start3A_49 : memref<1x4096xf32, #tpu.memory_space<hbm>> -> memref<4096xf32, #tpu.memory_space<hbm>>
    %dma_start3A_51 = arith.constant 8192 : i32
    %dma_start3A_52 = tpu.memref_slice %arg4[%add3A, %dma_start3A_51] : memref<32x16384xf32, #tpu.memory_space<hbm>> -> memref<1x4096xf32, #tpu.memory_space<hbm>>
    %dma_start3A_53 = tpu.memref_squeeze %dma_start3A_52 : memref<1x4096xf32, #tpu.memory_space<hbm>> -> memref<4096xf32, #tpu.memory_space<hbm>>
    tpu.enqueue_dma source(%arg7 : memref<4096xf32, #tpu.memory_space<vmem>>) target(%dma_start3A_53 : memref<4096xf32, #tpu.memory_space<hbm>>) target_semaphore(%arg12 : memref<!tpu.dma_semaphore, #tpu.memory_space<semaphore_mem>>)
    %dma_wait3A_54 = arith.constant 4096 : i32
    %dma_wait3A_55 = tpu.memref_slice %arg4[%add3A, %dma_wait3A_54] : memref<32x16384xf32, #tpu.memory_space<hbm>> -> memref<1x4096xf32, #tpu.memory_space<hbm>>
    %dma_wait3A_56 = tpu.memref_squeeze %dma_wait3A_55 : memref<1x4096xf32, #tpu.memory_space<hbm>> -> memref<4096xf32, #tpu.memory_space<hbm>>
    %dma_wait3A_57 = arith.constant 4096 : i32
    %dma_wait3A_58 = tpu.memref_slice %arg4[%add3A, %dma_wait3A_57] : memref<32x16384xf32, #tpu.memory_space<hbm>> -> memref<1x4096xf32, #tpu.memory_space<hbm>>
    %dma_wait3A_59 = tpu.memref_squeeze %dma_wait3A_58 : memref<1x4096xf32, #tpu.memory_space<hbm>> -> memref<4096xf32, #tpu.memory_space<hbm>>
    tpu.wait_dma2 semaphore(%arg12 : memref<!tpu.dma_semaphore, #tpu.memory_space<semaphore_mem>>) src(%arg8 : memref<4096xf32, #tpu.memory_space<vmem>>) dst(%dma_wait3A_59 : memref<4096xf32, #tpu.memory_space<hbm>>)
    %scan3A_60 = arith.constant 0 : i32
    %scan3A_61 = arith.constant 0 : i32
    %scan3A_62 = arith.constant 32 : i32
    %scan3A_63 = arith.addi %scan3A_61, %scan3A_62 : i32
    %scan3A_64 = arith.constant 1 : i32
    scf.for %scan3A_84 = %scan3A_61 to %scan3A_63 step %scan3A_64  : i32 {
      %mul3A_85 = arith.constant 128 : i32
      %mul3A_86 = arith.muli %scan3A_84, %mul3A_85 : i32
      %add3A_87 = arith.constant 12288 : i32
      %add3A_88 = arith.addi %add3A_87, %mul3A_86 : i32
      %mul3A_89 = arith.constant 128 : i32
      %mul3A_90 = arith.muli %scan3A_84, %mul3A_89 : i32
      %add3A_91 = arith.constant 0 : i32
      %add3A_92 = arith.addi %add3A_88, %add3A_91 : i32
      %get3A = arith.index_cast %add3A_92 : i32 to index
      %get3A_93 = tpu.vector_load %arg6[%get3A] {strides = array<i32>} : memref<16384xi32, #tpu.memory_space<vmem>>, vector<16xi32>,
      %add3A_94 = arith.constant 16 : i32
      %add3A_95 = arith.addi %add3A_88, %add3A_94 : i32
      %get3A_96 = arith.index_cast %add3A_95 : i32 to index
      %get3A_97 = tpu.vector_load %arg6[%get3A_96] {strides = array<i32>} : memref<16384xi32, #tpu.memory_space<vmem>>, vector<16xi32>,
      %add3A_98 = arith.constant 32 : i32
      %add3A_99 = arith.addi %add3A_88, %add3A_98 : i32
      %get3A_100 = arith.index_cast %add3A_99 : i32 to index
      %get3A_101 = tpu.vector_load %arg6[%get3A_100] {strides = array<i32>} : memref<16384xi32, #tpu.memory_space<vmem>>, vector<16xi32>,
      %add3A_102 = arith.constant 48 : i32
      %add3A_103 = arith.addi %add3A_88, %add3A_102 : i32
      %get3A_104 = arith.index_cast %add3A_103 : i32 to index
      %get3A_105 = tpu.vector_load %arg6[%get3A_104] {strides = array<i32>} : memref<16384xi32, #tpu.memory_space<vmem>>, vector<16xi32>,
      %add3A_106 = arith.constant 64 : i32
      %add3A_107 = arith.addi %add3A_88, %add3A_106 : i32
      %get3A_108 = arith.index_cast %add3A_107 : i32 to index
      %get3A_109 = tpu.vector_load %arg6[%get3A_108] {strides = array<i32>} : memref<16384xi32, #tpu.memory_space<vmem>>, vector<16xi32>,
      %add3A_110 = arith.constant 80 : i32
      %add3A_111 = arith.addi %add3A_88, %add3A_110 : i32
      %get3A_112 = arith.index_cast %add3A_111 : i32 to index
      %get3A_113 = tpu.vector_load %arg6[%get3A_112] {strides = array<i32>} : memref<16384xi32, #tpu.memory_space<vmem>>, vector<16xi32>,
      %add3A_114 = arith.constant 96 : i32
      %add3A_115 = arith.addi %add3A_88, %add3A_114 : i32
      %get3A_116 = arith.index_cast %add3A_115 : i32 to index
      %get3A_117 = tpu.vector_load %arg6[%get3A_116] {strides = array<i32>} : memref<16384xi32, #tpu.memory_space<vmem>>, vector<16xi32>,
      %add3A_118 = arith.constant 112 : i32
      %add3A_119 = arith.addi %add3A_88, %add3A_118 : i32
      %get3A_120 = arith.index_cast %add3A_119 : i32 to index
      %get3A_121 = tpu.vector_load %arg6[%get3A_120] {strides = array<i32>} : memref<16384xi32, #tpu.memory_space<vmem>>, vector<16xi32>,
      %gather3A = tpu.vector_load_idx %arg5[%get3A_93] : memref<100001xf32, #tpu.memory_space<vmem>>[vector<16xi32>], vector<16xf32>,
      %gather3A_122 = tpu.vector_load_idx %arg5[%get3A_97] : memref<100001xf32, #tpu.memory_space<vmem>>[vector<16xi32>], vector<16xf32>,
      %gather3A_123 = tpu.vector_load_idx %arg5[%get3A_101] : memref<100001xf32, #tpu.memory_space<vmem>>[vector<16xi32>], vector<16xf32>,
      %gather3A_124 = tpu.vector_load_idx %arg5[%get3A_105] : memref<100001xf32, #tpu.memory_space<vmem>>[vector<16xi32>], vector<16xf32>,
      %gather3A_125 = tpu.vector_load_idx %arg5[%get3A_109] : memref<100001xf32, #tpu.memory_space<vmem>>[vector<16xi32>], vector<16xf32>,
      %gather3A_126 = tpu.vector_load_idx %arg5[%get3A_113] : memref<100001xf32, #tpu.memory_space<vmem>>[vector<16xi32>], vector<16xf32>,
      %gather3A_127 = tpu.vector_load_idx %arg5[%get3A_117] : memref<100001xf32, #tpu.memory_space<vmem>>[vector<16xi32>], vector<16xf32>,
      %gather3A_128 = tpu.vector_load_idx %arg5[%get3A_121] : memref<100001xf32, #tpu.memory_space<vmem>>[vector<16xi32>], vector<16xf32>,
      %add3A_129 = arith.constant 0 : i32
      %add3A_130 = arith.addi %mul3A_90, %add3A_129 : i32
      %swap3A = arith.index_cast %add3A_130 : i32 to index
      %swap3A_131 = tpu.vector_load %arg8[%swap3A] {strides = array<i32>} : memref<4096xf32, #tpu.memory_space<vmem>>, vector<16xf32>,
      tpu.vector_store %arg8[%swap3A], %gather3A {strides = array<i32>} : memref<4096xf32, #tpu.memory_space<vmem>>, vector<16xf32>,
      %add3A_132 = arith.constant 16 : i32
      %add3A_133 = arith.addi %mul3A_90, %add3A_132 : i32
      %swap3A_134 = arith.index_cast %add3A_133 : i32 to index
      %swap3A_135 = tpu.vector_load %arg8[%swap3A_134] {strides = array<i32>} : memref<4096xf32, #tpu.memory_space<vmem>>, vector<16xf32>,
      tpu.vector_store %arg8[%swap3A_134], %gather3A_122 {strides = array<i32>} : memref<4096xf32, #tpu.memory_space<vmem>>, vector<16xf32>,
      %add3A_136 = arith.constant 32 : i32
      %add3A_137 = arith.addi %mul3A_90, %add3A_136 : i32
      %swap3A_138 = arith.index_cast %add3A_137 : i32 to index
      %swap3A_139 = tpu.vector_load %arg8[%swap3A_138] {strides = array<i32>} : memref<4096xf32, #tpu.memory_space<vmem>>, vector<16xf32>,
      tpu.vector_store %arg8[%swap3A_138], %gather3A_123 {strides = array<i32>} : memref<4096xf32, #tpu.memory_space<vmem>>, vector<16xf32>,
      %add3A_140 = arith.constant 48 : i32
      %add3A_141 = arith.addi %mul3A_90, %add3A_140 : i32
      %swap3A_142 = arith.index_cast %add3A_141 : i32 to index
      %swap3A_143 = tpu.vector_load %arg8[%swap3A_142] {strides = array<i32>} : memref<4096xf32, #tpu.memory_space<vmem>>, vector<16xf32>,
      tpu.vector_store %arg8[%swap3A_142], %gather3A_124 {strides = array<i32>} : memref<4096xf32, #tpu.memory_space<vmem>>, vector<16xf32>,
      %add3A_144 = arith.constant 64 : i32
      %add3A_145 = arith.addi %mul3A_90, %add3A_144 : i32
      %swap3A_146 = arith.index_cast %add3A_145 : i32 to index
      %swap3A_147 = tpu.vector_load %arg8[%swap3A_146] {strides = array<i32>} : memref<4096xf32, #tpu.memory_space<vmem>>, vector<16xf32>,
      tpu.vector_store %arg8[%swap3A_146], %gather3A_125 {strides = array<i32>} : memref<4096xf32, #tpu.memory_space<vmem>>, vector<16xf32>,
      %add3A_148 = arith.constant 80 : i32
      %add3A_149 = arith.addi %mul3A_90, %add3A_148 : i32
      %swap3A_150 = arith.index_cast %add3A_149 : i32 to index
      %swap3A_151 = tpu.vector_load %arg8[%swap3A_150] {strides = array<i32>} : memref<4096xf32, #tpu.memory_space<vmem>>, vector<16xf32>,
      tpu.vector_store %arg8[%swap3A_150], %gather3A_126 {strides = array<i32>} : memref<4096xf32, #tpu.memory_space<vmem>>, vector<16xf32>,
      %add3A_152 = arith.constant 96 : i32
      %add3A_153 = arith.addi %mul3A_90, %add3A_152 : i32
      %swap3A_154 = arith.index_cast %add3A_153 : i32 to index
      %swap3A_155 = tpu.vector_load %arg8[%swap3A_154] {strides = array<i32>} : memref<4096xf32, #tpu.memory_space<vmem>>, vector<16xf32>,
      tpu.vector_store %arg8[%swap3A_154], %gather3A_127 {strides = array<i32>} : memref<4096xf32, #tpu.memory_space<vmem>>, vector<16xf32>,
      %add3A_156 = arith.constant 112 : i32
      %add3A_157 = arith.addi %mul3A_90, %add3A_156 : i32
      %swap3A_158 = arith.index_cast %add3A_157 : i32 to index
      %swap3A_159 = tpu.vector_load %arg8[%swap3A_158] {strides = array<i32>} : memref<4096xf32, #tpu.memory_space<vmem>>, vector<16xf32>,
      tpu.vector_store %arg8[%swap3A_158], %gather3A_128 {strides = array<i32>} : memref<4096xf32, #tpu.memory_space<vmem>>, vector<16xf32>,
    }
    %scan3A_65 = arith.constant 32 : i32
    %dma_start3A_66 = arith.constant 12288 : i32
    %dma_start3A_67 = tpu.memref_slice %arg4[%add3A, %dma_start3A_66] : memref<32x16384xf32, #tpu.memory_space<hbm>> -> memref<1x4096xf32, #tpu.memory_space<hbm>>
    %dma_start3A_68 = tpu.memref_squeeze %dma_start3A_67 : memref<1x4096xf32, #tpu.memory_space<hbm>> -> memref<4096xf32, #tpu.memory_space<hbm>>
    %dma_start3A_69 = arith.constant 12288 : i32
    %dma_start3A_70 = tpu.memref_slice %arg4[%add3A, %dma_start3A_69] : memref<32x16384xf32, #tpu.memory_space<hbm>> -> memref<1x4096xf32, #tpu.memory_space<hbm>>
    %dma_start3A_71 = tpu.memref_squeeze %dma_start3A_70 : memref<1x4096xf32, #tpu.memory_space<hbm>> -> memref<4096xf32, #tpu.memory_space<hbm>>
    tpu.enqueue_dma source(%arg8 : memref<4096xf32, #tpu.memory_space<vmem>>) target(%dma_start3A_71 : memref<4096xf32, #tpu.memory_space<hbm>>) target_semaphore(%arg12 : memref<!tpu.dma_semaphore, #tpu.memory_space<semaphore_mem>>)
    %dma_wait3A_72 = arith.constant 8192 : i32
    %dma_wait3A_73 = tpu.memref_slice %arg4[%add3A, %dma_wait3A_72] : memref<32x16384xf32, #tpu.memory_space<hbm>> -> memref<1x4096xf32, #tpu.memory_space<hbm>>
    %dma_wait3A_74 = tpu.memref_squeeze %dma_wait3A_73 : memref<1x4096xf32, #tpu.memory_space<hbm>> -> memref<4096xf32, #tpu.memory_space<hbm>>
    %dma_wait3A_75 = arith.constant 8192 : i32
    %dma_wait3A_76 = tpu.memref_slice %arg4[%add3A, %dma_wait3A_75] : memref<32x16384xf32, #tpu.memory_space<hbm>> -> memref<1x4096xf32, #tpu.memory_space<hbm>>
    %dma_wait3A_77 = tpu.memref_squeeze %dma_wait3A_76 : memref<1x4096xf32, #tpu.memory_space<hbm>> -> memref<4096xf32, #tpu.memory_space<hbm>>
    tpu.wait_dma2 semaphore(%arg12 : memref<!tpu.dma_semaphore, #tpu.memory_space<semaphore_mem>>) src(%arg7 : memref<4096xf32, #tpu.memory_space<vmem>>) dst(%dma_wait3A_77 : memref<4096xf32, #tpu.memory_space<hbm>>)
    %dma_wait3A_78 = arith.constant 12288 : i32
    %dma_wait3A_79 = tpu.memref_slice %arg4[%add3A, %dma_wait3A_78] : memref<32x16384xf32, #tpu.memory_space<hbm>> -> memref<1x4096xf32, #tpu.memory_space<hbm>>
    %dma_wait3A_80 = tpu.memref_squeeze %dma_wait3A_79 : memref<1x4096xf32, #tpu.memory_space<hbm>> -> memref<4096xf32, #tpu.memory_space<hbm>>
    %dma_wait3A_81 = arith.constant 12288 : i32
    %dma_wait3A_82 = tpu.memref_slice %arg4[%add3A, %dma_wait3A_81] : memref<32x16384xf32, #tpu.memory_space<hbm>> -> memref<1x4096xf32, #tpu.memory_space<hbm>>
    %dma_wait3A_83 = tpu.memref_squeeze %dma_wait3A_82 : memref<1x4096xf32, #tpu.memory_space<hbm>> -> memref<4096xf32, #tpu.memory_space<hbm>>
    tpu.wait_dma2 semaphore(%arg12 : memref<!tpu.dma_semaphore, #tpu.memory_space<semaphore_mem>>) src(%arg8 : memref<4096xf32, #tpu.memory_space<vmem>>) dst(%dma_wait3A_83 : memref<4096xf32, #tpu.memory_space<hbm>>)
    return
  }
}

</mosaic_0001>

<sc_bundles>
// kernel: kernel.3.cloned.1.call-start
scs
__scs_entry_jumppad:
0x0: {  	(pc) =	sbr.rel $0x88, $3  }
0x1: {  	(tag) =	ssettag $0x0;
	lr =	simm.s32 $0x1  }
0x2: {  	[smem:$0x3F9F] =	sst lr;
	_ =	strace $0xD0000000  }
0x3: {  	_ = 	snop  }
0x4: {  	_ = 	snop  }
0x5: {  	_ = 	snop  }
0x6: {  	_ = 	snop  }
0x7: {  	_ = 	snop  }
__scs_overlays_trampoline_lowered:
0x8: {  	[smem:$0x3FAE] =	sst s0  }
0x9: {  	[smem:$0x3FAF] =	sst s1  }
0xa: {  	[smem:$0x3FB0] =	sst s2  }
0xb: {  	[smem:$0x3FB1] =	sst s3  }
0xc: {  	[smem:$0x3FB2] =	sst s4  }
0xd: {  	[smem:$0x3FB3] =	sst s5  }
0xe: {  	[smem:$0x3FB4] =	sst s6  }
0xf: {  	[smem:$0x3FB5] =	sst s7  }
0x10: {  	[smem:$0x3FB6] =	sst s8  }
0x11: {  	[smem:$0x3FB7] =	sst s9;
	s0 =	simm.s32 @!p0 $0x0  }
0x12: {  	s1 =	sld [smem:$0x3F9D];
	s0 =	simm.s32 @p0 $0x1  }
0x13: {  	[smem:$0x3FB8] =	sst s0;
	s0 =	simm.s32 @!p1 $0x0  }
0x14: {  	s2 =	sld [smem:$0x3F9C];
	s0 =	simm.s32 @p1 $0x1  }
0x15: {  	[smem:$0x3FB9] =	sst s0;
	s0 =	simm.s32 @!p2 $0x0  }
0x16: {  	s3 =	sld [smem:$0x3FDB];
	s0 =	simm.s32 @p2 $0x1  }
0x17: {  	s4 =	simm.s32 $0x1BF5;
	[smem:$0x3FBB] =	sst s0  }
0x18: {  	s0 =	sld [smem:$0x3F9E];
	_ =	swait.ge [sflag:s4], $0x0  }
0x19: {  	s7 =	sld [smem:$0x3F9F]  }
0x1a: {  	s8 =	sadd.s32 $0xFFFFE003, lr  }
0x1b: {  	s9 =	sadd.s32 $0xFFFFFEF7, lr;
	s5 =	simm.s32 $0xFFFFFFFF;
	p2 =	slt.u32 s8, $0xFFFFF086  }
0x1c: {  	p1 =	slt.u32 s9, $0xF7A;
	s5 =	simm.s32 @!p2 $0x0  }
0x1d: {  	s5 =	simm.s32 @p1 $0x1;
	p0 =	seq.s32 s7, s2  }
0x1e: {  	s7 =	smul.u32 @!p0 $0xF7A, s2;
	p2 =	seq.s32 @!p0 s5, $0x0  }
0x1f: {  	s9 =	smul.u32 $0xF7A, s1;
	s8 =	simm.s32 @!p0 $0x1BF5;
	p2 =	por !p2, p0  }
0x20: {  	[sflag:s8] =	ssyncset.s32 @!p0 $0xFFFFF086;
	s6 =	sadd.s32 @!p0 s3, s7;
	s7 =	simm.s32 @!p0 $0x108  }
0x21: {  	s3 =	sadd.s32 s3, s9;
	s6 =	sadd.s32 @!p0 $0x88, s6;
	s7 =	simm.s32 @p2 $0x1082  }
0x22: {  	[simem:s7], [sflag:s8] =	dma.local @!p0 [hbm:s6], $0xF7A  }
0x23: {  	s9 =	sor.u32 $0xD0000000, s2;
	s6 =	simm.s32 $0x108;
	_ =	swait.ge @!p0 [sflag:s8], $0x0  }
0x24: {  	s3 =	sadd.s32 $0x88, s3;
	s6 =	simm.s32 @!p1 $0x1082;
	[sflag:s4] =	ssyncset.s32 $0xFFFFF086  }
0x25: {  	[simem:s6], [sflag:s4] =	dma.local [hbm:s3], $0xF7A  }
0x26: {  	[smem:$0x3F9F] =	sst s1;
	(tag) =	ssettag s2;
	_ =	strace s9  }
0x27: {  	s1 =	sld [smem:$0x3FAF]  }
0x28: {  	s2 =	sld [smem:$0x3FB0]  }
0x29: {  	s4 =	sld [smem:$0x3FB2]  }
0x2a: {  	p0 =	seq.s32 s5, $0x0;
	s5 =	sld [smem:$0x3FB3]  }
0x2b: {  	s6 =	sld [smem:$0x3FB4]  }
0x2c: {  	s7 =	sld [smem:$0x3FB5]  }
0x2d: {  	s3 =	simm.s32 $0x108;
	s8 =	sld [smem:$0x3FB6]  }
0x2e: {  	s3 =	simm.s32 @!p0 $0x1082;
	s9 =	sld [smem:$0x3FB7]  }
0x2f: {  	lr =	sadd.s32 s0, s3;
	s0 =	sld [smem:$0x3FAE]  }
0x30: {  	s3 =	sld [smem:$0x3FB1]  }
0x31: {  	[smem:$0x3FBA] =	sst s10  }
0x32: {  	s10 =	sld [smem:$0x3FB8];
	_ =	sdelay $0x3  }
0x33: {  	p0 =	seq.s32 s10, $0x1;
	s10 =	sld [smem:$0x3FBA];
	_ =	sdelay $0x3  }
0x34: {  	[smem:$0x3FBA] =	sst s10  }
0x35: {  	s10 =	sld [smem:$0x3FB9];
	_ =	sdelay $0x3  }
0x36: {  	p1 =	seq.s32 s10, $0x1;
	s10 =	sld [smem:$0x3FBA];
	_ =	sdelay $0x3  }
0x37: {  	[smem:$0x3FBA] =	sst s10  }
0x38: {  	s10 =	sld [smem:$0x3FBB]  }
0x39: {  	_ = 	snop;
	(pc) =	sbr.ind lr, $3  }
0x3a: {  	_ = 	snop  }
0x3b: {  	_ = 	snop  }
0x3c: {  	p2 =	seq.s32 s10, $0x1;
	s10 =	sld [smem:$0x3FBA]  }
0x3d: {  	_ =	shalt  }
0x3e: {  	_ =	shalt  }
0x3f: {  	_ =	shalt  }
0x40: {  	_ =	shalt  }
0x41: {  	_ =	shalt  }
0x42: {  	_ =	shalt  }
0x43: {  	_ =	shalt  }
0x44: {  	_ =	shalt  }
0x45: {  	_ =	shalt  }
0x46: {  	_ =	shalt  }
0x47: {  	_ =	shalt  }
0x48: {  	_ =	shalt  }
0x49: {  	_ =	shalt  }
0x4a: {  	_ =	shalt  }
0x4b: {  	_ =	shalt  }
0x4c: {  	_ =	shalt  }
0x4d: {  	_ =	shalt  }
0x4e: {  	_ =	shalt  }
0x4f: {  	_ =	shalt  }
0x50: {  	_ =	shalt  }
0x51: {  	_ =	shalt  }
0x52: {  	_ =	shalt  }
0x53: {  	_ =	shalt  }
0x54: {  	_ =	shalt  }
0x55: {  	_ =	shalt  }
0x56: {  	_ =	shalt  }
0x57: {  	_ =	shalt  }
0x58: {  	_ =	shalt  }
0x59: {  	_ =	shalt  }
0x5a: {  	_ =	shalt  }
0x5b: {  	_ =	shalt  }
0x5c: {  	_ =	shalt  }
0x5d: {  	_ =	shalt  }
0x5e: {  	_ =	shalt  }
0x5f: {  	_ =	shalt  }
0x60: {  	_ =	shalt  }
0x61: {  	_ =	shalt  }
0x62: {  	_ =	shalt  }
0x63: {  	_ =	shalt  }
0x64: {  	_ =	shalt  }
0x65: {  	_ =	shalt  }
0x66: {  	_ =	shalt  }
0x67: {  	_ =	shalt  }
0x68: {  	_ =	shalt  }
0x69: {  	_ =	shalt  }
0x6a: {  	_ =	shalt  }
0x6b: {  	_ =	shalt  }
0x6c: {  	_ =	shalt  }
0x6d: {  	_ =	shalt  }
0x6e: {  	_ =	shalt  }
0x6f: {  	_ =	shalt  }
0x70: {  	_ =	shalt  }
0x71: {  	_ =	shalt  }
0x72: {  	_ =	shalt  }
0x73: {  	_ =	shalt  }
0x74: {  	_ =	shalt  }
0x75: {  	_ =	shalt  }
0x76: {  	_ =	shalt  }
0x77: {  	_ =	shalt  }
0x78: {  	_ =	shalt  }
0x79: {  	_ =	shalt  }
0x7a: {  	_ =	shalt  }
0x7b: {  	_ =	shalt  }
0x7c: {  	_ =	shalt  }
0x7d: {  	_ =	shalt  }
0x7e: {  	_ =	shalt  }
0x7f: {  	_ =	shalt  }
0x80: {  	_ =	shalt  }
0x81: {  	_ =	shalt  }
0x82: {  	_ =	shalt  }
0x83: {  	_ =	shalt  }
0x84: {  	_ =	shalt  }
0x85: {  	_ =	shalt  }
0x86: {  	_ =	shalt  }
0x87: {  	_ =	shalt  }
.Lfunc_end0:
.L_simem_size_0:
called_computation_lowered:
.L_overlay_start_0:
0x88: {  	s2 =	sld [smem:$0x3FD9]  }
0x89: {  	s3 =	sld [smem:$0x3FFE];
	_ =	sdelay $0x1  }
0x8a: {  	s1 =	srdreg.scid  }
0x8b: {  	s0 =	sand.u32 $0x1, s1  }
0x8c: {  	s18 =	sshll.u32 s0, $0xA;
	s2 =	sadd.s32 s3, s2  }
0x8d: {  	s2 =	sadd.s32 s2, s18  }
0x8e: {  	[smem:$0x3FC6] =	sst s2  }
0x8f: {  	_ = 	snop  }
0x90: {  	s2 =	sld [smem:$0x3FC9]  }
0x91: {  	s19 =	sld [smem:$0x3FC8]  }
0x92: {  	s4 =	sld [smem:$0x3FD0];
	(tm) =	ssettm $0x1  }
0x93: {  	s5 =	sld [smem:$0x3FFB];
	_ =	sdelay $0x3  }
0x94: {  	_ =	strace s5  }
0x95: {  	s5 =	sld [smem:$0x3FFC];
	_ =	sdelay $0x3  }
0x96: {  	_ =	strace s5  }
0x97: {  	s5 =	sld [smem:$0x3FFD];
	_ =	sdelay $0x3  }
0x98: {  	_ =	strace s5  }
0x99: {  	_ =	strace $0x8FFFFFFF  }
0x9a: {  	s20 =	sld [smem:$0x3FDB];
	_ =	sdelay $0x1  }
0x9b: {  	s6 =	simm.s32 $_scs_section_size  }
0x9c: {  	s7 =	simm.s32 $_size__tile_overlayer_lowered;
	s8 =	simm.s32 $_tile_overlayer_lowered  }
0x9d: {  	s23 =	simm.s32 $0x1BFF;
	s22 =	sshll.u32 s8, $0x1;
	s5 =	sadd.s32 s6, s20  }
0x9e: {  	s9 =	simm.s32 $0x0;
	s21 =	sshll.u32 s7, $0x1;
	s7 =	sadd.s32 s22, s5  }
0x9f: {  	[timem:s9], [sflag:s23] =	dma.local [hbm:s7], s21  }
0xa0: {  	_ =	swait.ge [sflag:s23], s21  }
0xa1: {  	s6 =	ssub.s32 $0x0, s21;
	[sflag:s23] =	ssyncset.done $0x0  }
0xa2: {  	[sflag:s23] =	ssyncadd.s32 s6;
	_ =	sdelay $0x1  }
0xa3: {  	s24 =	simm.s32 $0x1B8B  }
0xa4: {  	_ =	swait.ge [sflag:s24], $0x1  }
0xa5: {  	[sflag:s24] =	ssyncset.done $0x0  }
0xa6: {  	s25 =	simm.s32 $0x1B8E;
	[sflag:s24] =	ssyncadd.s32 $0xFFFFFFFF  }
0xa7: {  	s26 =	simm.s32 $execute0_lowered;
	[smem:$0x3FD2] =	sst s25  }
0xa8: {  	s6 =	sshll.u32 s26, $0x1;
	_ =	strace $0x80000046;
	[dreg:$0x1] =	wrdreg $0xFFFFFFFF  }
0xa9: {  	s28 =	simm.s32 $_size_execute0_lowered;
	s5 =	sadd.s32 s5, s6;
	[dreg:$0x0] =	wrdreg $0x0  }
0xaa: {  	s6 =	sshll.u32 s28, $0x1;
	[dreg:$0x2] =	wrdreg s5  }
0xab: {  	[dreg:$0x3] =	wrdreg s6  }
0xac: {  	[dreg:$0x4] =	wrdreg $0xC0  }
0xad: {  	_ =	task [dreg:s9], $0x5FFFF  }
0xae: {  	[dreg:$0x1] =	wrdreg $0xFFFFFFFF  }
0xaf: {  	[dreg:$0x0] =	wrdreg $0x60  }
0xb0: {  	[dreg:$0x2] =	wrdreg s19  }
0xb1: {  	[dreg:$0x3] =	wrdreg s2  }
0xb2: {  	[dreg:$0x4] =	wrdreg s4  }
0xb3: {  	[dreg:$0x5] =	wrdreg $0x1E7000  }
0xb4: {  	[dreg:$0x6] =	wrdreg $0x9  }
0xb5: {  	_ =	task.clear_ibuf [dreg:s9], $0x7FFFF;
	_ =	strace $0x90000046  }
0xb6: {  	s29 =	simm.s32 $0x9;
	_ =	strace $0x80000048  }
0xb7: {  	_ =	swait.ge [sflag:s29], $0x1  }
0xb8: {  	[sflag:s29] =	ssyncadd.s32 $0xFFFFFFFF  }
0xb9: {  	_ =	strace $0x90000048  }
0xba: {  	_ =	sfence  }
0xbb: {  	s30 =	sld [smem:$0x0];
	_ =	sdelay $0x2  }
0xbc: {  	s31 =	sshll.u32 s1, $0xD;
	s1 =	sshrl.u32 s1, $0x2  }
0xbd: {  	s3 =	sand.u32 $0x4000, s31;
	s1 =	sadd.s32 s1, s30  }
0xbe: {  	s0 =	sor.u32 s3, s0;
	s1 =	sshll.u32 s1, $0x11  }
0xbf: {  	s0 =	sor.u32 s1, s0  }
0xc0: {  	s0 =	sadd.s32 $0x8F2B, s0  }
0xc1: {  	[sflag:s0] =	ssyncadd.remote.s32 $0x1  }
0xc2: {  	_ =	sfence.sel $0xFFFF  }
0xc3: {  	[dreg:$0x0] =	wrdreg $0xFFFFFFFF;
	(pc) =	sbr.abs _section_cstart, $3  }
0xc4: {  	[dreg:$0x1] =	wrdreg $0xFFFFFFFF  }
0xc5: {  	_ =	task.clear_ibuf [dreg:s9], $0x2FFFF;
	_ =	strace $0x9FFFFFFF  }
0xc6: {  	(tm) =	ssettm $0x7FFFFFFF  }
0xc7: {  	_ =	shalt  }
tec
execute0_lowered:
.L_overlay_start_1:
0x0: {  	(tag) =	ssettag $0x1  }
0x1: {  	s4 =	rddreg [dreg:$0x0]  }
0x2: {  	s0 =	rddreg [dreg:$0x1]  }
0x3: {  	s1 =	srdreg.scid;
	s6 =	rddreg [dreg:$0x2]  }
0x4: {  	s10 =	stileid.u32;
	s2 =	rddreg [dreg:$0x3]  }
0x5: {  	s3 =	simm.s32 $0x0;
	s13 =	simm.s32 $0x18700;
	s14 =	simm.s32 $0x2  }
0x6: {  	s15 =	simm.s32 $0x1;
	s16 =	simm.s32 $0x1C700;
	s17 =	simm.s32 $0x1D700  }
0x7: {  	s18 =	simm.s32 $0x3;
	s19 =	simm.s32 $0x0;
	s5 =	sand.u32 $0x1, s1  }
0x8: {  	[smem:$0x7FF] =	sst s3;
	s8 =	sshll.u32 s10, $0x7;
	s1 =	sshll.u32 s5, $0x4  }
0x9: {  	p0 =	sne.s32 s10, $0x0;
	s8 =	sand.u32 $0x380, s8;
	s7 =	sor.u32 s10, s1  }
0xa: {  	s5 =	ssub.s32 $0x2, s5;
	s12 =	sshrl.u32 @!p0 s2, $0x3;
	s7 =	sshrl.u32 s7, $0x3  }
0xb: {  	s1 =	rddreg [dreg:$0x4];
	s9 =	smul.u32 $0xC3800, s7;
	s7 =	sshll.u32 s7, $0x11  }
0xc: {  	_ =	strace $0x80000047;
	s31 =	sshrl.u32 s5, $0x1;
	s7 =	sor.u32 s8, s7  }
0xd: {  	s10 =	simm.s32 $0x80;
	s9 =	sor.u32 s8, s9;
	s7 =	sshrl.u32 s7, $0x3  }
0xe: {  	s11 =	ssub.s32 s5, s31;
	s9 =	sshrl.u32 s9, $0x3;
	s5 =	sadd.s32 s6, s7  }
0xf: {  	s4 =	sadd.s32 s4, s9;
	s6 =	sadd.s32 $0x1000, s5;
	s7 =	sadd.s32 $0x2000, s5  }
0x10: {  	s8 =	sadd.s32 $0x3000, s5;
	s9 =	smax.u32 s11, $0x1;
	s11 =	simm.s32 $0x400  }
.LBB2_1:
0x11: {  	[tilespmem:s3], [sflag:$0x1] =	stream.strided.gather [hbm4b:s4+s10], $0x18700, s11, s10, $0x38;
	[tilespmem:$0x1EB00] =	vst v63  }
0x12: {  	s20 =	simm.s32 @!p0 $0x1C04  }
0x13: {  	[spmem:s12], [sflag:s20] =	dma.local @!p0 [hbm:s0], $0x800  }
0x14: {  	s20 =	simm.s32 @!p0 $0x4  }
0x15: {  	_ =	swait.ge @!p0 [sflag:s20], $0x800  }
0x16: {  	[sflag:s20] =	ssyncset.done @!p0 $0x0  }
0x17: {  	[sflag:s20] =	ssyncadd.s32 @!p0 $0xFFFFF800  }
0x18: {  	[bflag:$0x0] =	sbarrier.arrive $0xFFFF  }
0x19: {  	[tilespmem:s13], [sflag:$0x2] =	stream.linear.gather [spmem:s2], $0x4000, $0x38;
	[tilespmem:$0x1EB00] =	vst v63  }
0x1a: {  	_ =	swait.ge [sflag:s14], $0x4000  }
0x1b: {  	[sflag:s14] =	ssyncset.done $0x0  }
0x1c: {  	[sflag:s14] =	ssyncadd.s32 $0xFFFFC000  }
0x1d: {  	_ =	swait.ge [sflag:s15], $0x18700  }
0x1e: {  	[sflag:s15] =	ssyncset.done $0x0  }
0x1f: {  	s20 =	simm.s32 $0x0;
	[sflag:s15] =	ssyncadd.s32 $0xFFFE7900  }
0x20: {  	v0 =	vld [tilespmem:s20+$0x18700]  }
0x21: {  	v1 =	vld [tilespmem:s20+$0x18770]  }
0x22: {  	v2 =	vld [tilespmem:s20+$0x18710]  }
0x23: {  	v3 =	vld [tilespmem:s20+$0x18720]  }
0x24: {  	v4 =	vld [tilespmem:s20+$0x18730]  }
0x25: {  	v7 =	vld [tilespmem:s20+$0x18740]  }
0x26: {  	v8 =	vld [tilespmem:s20+$0x18750]  }
0x27: {  	v9 =	vld [tilespmem:s20+$0x18760]  }
0x28: {  	v10 =	vld.idx.msk [tilespmem:v0+s3+$0x0], $0xffff  }
0x29: {  	v0 =	vld.idx.msk [tilespmem:v1+s3+$0x0], $0xffff  }
0x2a: {  	v6 =	vld.idx.msk [tilespmem:v2+s3+$0x0], $0xffff  }
0x2b: {  	v5 =	vld.idx.msk [tilespmem:v3+s3+$0x0], $0xffff  }
0x2c: {  	v4 =	vld.idx.msk [tilespmem:v4+s3+$0x0], $0xffff  }
0x2d: {  	v3 =	vld.idx.msk [tilespmem:v7+s3+$0x0], $0xffff  }
0x2e: {  	v2 =	vld.idx.msk [tilespmem:v8+s3+$0x0], $0xffff  }
0x2f: {  	s21 =	simm.s32 $0x80;
	v1 =	vld.idx.msk [tilespmem:v9+s3+$0x0], $0xffff;
	[tilespmem:s20+$0x1C770] =	vst v0  }
0x30: {  	s22 =	simm.s32 $0x400;
	v0 =	vld [tilespmem:s21+$0x18700];
	[tilespmem:s20+$0x1C700] =	vst v10  }
.LBB2_2:
0x31: {  	p1 =	sne.s32 s22, $0x3E00;
	v7 =	vld [tilespmem:s21+$0x18770];
	[tilespmem:s20+$0x1C710] =	vst v6  }
0x32: {  	v6 =	vld [tilespmem:s21+$0x18710];
	[tilespmem:s20+$0x1C720] =	vst v5  }
0x33: {  	v5 =	vld [tilespmem:s21+$0x18720];
	[tilespmem:s20+$0x1C730] =	vst v4  }
0x34: {  	v4 =	vld [tilespmem:s21+$0x18730];
	[tilespmem:s20+$0x1C740] =	vst v3  }
0x35: {  	v3 =	vld [tilespmem:s21+$0x18740];
	[tilespmem:s20+$0x1C750] =	vst v2  }
0x36: {  	v2 =	vld [tilespmem:s21+$0x18750];
	[tilespmem:s20+$0x1C760] =	vst v1;
	s20 =	smov.u32 s21  }
0x37: {  	v1 =	vld [tilespmem:s20+$0x18760]  }
0x38: {  	v8 =	vld.idx.msk [tilespmem:v0+s3+$0x0], $0xffff  }
0x39: {  	v0 =	vld.idx.msk [tilespmem:v7+s3+$0x0], $0xffff  }
0x3a: {  	v6 =	vld.idx.msk [tilespmem:v6+s3+$0x0], $0xffff  }
0x3b: {  	v5 =	vld.idx.msk [tilespmem:v5+s3+$0x0], $0xffff  }
.Ltmp0:
0x3c: {  	v4 =	vld.idx.msk [tilespmem:v4+s3+$0x0], $0xffff;
	(pc) =	sbr.rel @p1 .LBB2_2-.Ltmp0, $4  }
0x3d: {  	v3 =	vld.idx.msk [tilespmem:v3+s3+$0x0], $0xffff  }
0x3e: {  	v2 =	vld.idx.msk [tilespmem:v2+s3+$0x0], $0xffff  }
0x3f: {  	s21 =	sshra.s32 s22, $0x2;
	v1 =	vld.idx.msk [tilespmem:v1+s3+$0x0], $0xffff;
	[tilespmem:s20+$0x1C770] =	vst v0  }
0x40: {  	s22 =	sadd.s32 $0x200, s22;
	v0 =	vld [tilespmem:s21+$0x18700];
	[tilespmem:s20+$0x1C700] =	vst v8  }
0x41: {  	_ = 	snop  }
0x42: {  	v7 =	vld [tilespmem:s21+$0x18770];
	[tilespmem:s20+$0x1C710] =	vst v6  }
0x43: {  	v6 =	vld [tilespmem:s21+$0x18710];
	[tilespmem:s20+$0x1C720] =	vst v5  }
0x44: {  	v5 =	vld [tilespmem:s21+$0x18720];
	[tilespmem:s20+$0x1C730] =	vst v4  }
0x45: {  	v4 =	vld [tilespmem:s21+$0x18730];
	[tilespmem:s20+$0x1C740] =	vst v3  }
0x46: {  	v3 =	vld [tilespmem:s21+$0x18740];
	[tilespmem:s20+$0x1C750] =	vst v2  }
0x47: {  	v2 =	vld [tilespmem:s21+$0x18750];
	[tilespmem:s20+$0x1C760] =	vst v1  }
0x48: {  	v1 =	vld [tilespmem:s21+$0x18760]  }
0x49: {  	v0 =	vld.idx.msk [tilespmem:v0+s3+$0x0], $0xffff  }
0x4a: {  	v7 =	vld.idx.msk [tilespmem:v7+s3+$0x0], $0xffff  }
0x4b: {  	v6 =	vld.idx.msk [tilespmem:v6+s3+$0x0], $0xffff  }
0x4c: {  	v5 =	vld.idx.msk [tilespmem:v5+s3+$0x0], $0xffff  }
0x4d: {  	v4 =	vld.idx.msk [tilespmem:v4+s3+$0x0], $0xffff  }
0x4e: {  	v3 =	vld.idx.msk [tilespmem:v3+s3+$0x0], $0xffff  }
0x4f: {  	v2 =	vld.idx.msk [tilespmem:v2+s3+$0x0], $0xffff  }
0x50: {  	v1 =	vld.idx.msk [tilespmem:v1+s3+$0x0], $0xffff;
	[tilespmem:s21+$0x1C770] =	vst v7  }
0x51: {  	[tilespmem:s21+$0x1C700] =	vst v0  }
0x52: {  	[tilespmem:s21+$0x1C710] =	vst v6  }
0x53: {  	[tilespmem:s21+$0x1C720] =	vst v5  }
0x54: {  	[tilespmem:s21+$0x1C730] =	vst v4  }
0x55: {  	[tilespmem:s21+$0x1C740] =	vst v3  }
0x56: {  	[tilespmem:s21+$0x1C750] =	vst v2  }
0x57: {  	s20 =	simm.s32 $0x40;
	[tilespmem:s21+$0x1C760] =	vst v1  }
0x58: {  	[hbm4b:s5+s10] =	stream.strided.scatter [tilespmem:s16], [sflag:$0x3], $0x1000, s11, s10, $0x38;
	[tilespmem:$0x1EB00] =	vst v63  }
0x59: {  	v0 =	vld [tilespmem:s20+$0x196C0]  }
0x5a: {  	v1 =	vld [tilespmem:s20+$0x19730]  }
0x5b: {  	v2 =	vld [tilespmem:s20+$0x196D0]  }
0x5c: {  	v3 =	vld [tilespmem:s20+$0x196E0]  }
0x5d: {  	v4 =	vld [tilespmem:s20+$0x196F0]  }
0x5e: {  	v7 =	vld [tilespmem:s20+$0x19700]  }
0x5f: {  	v8 =	vld [tilespmem:s20+$0x19710]  }
0x60: {  	v9 =	vld [tilespmem:s20+$0x19720]  }
0x61: {  	v10 =	vld.idx.msk [tilespmem:v0+s3+$0x0], $0xffff  }
0x62: {  	v0 =	vld.idx.msk [tilespmem:v1+s3+$0x0], $0xffff  }
0x63: {  	v6 =	vld.idx.msk [tilespmem:v2+s3+$0x0], $0xffff  }
0x64: {  	v5 =	vld.idx.msk [tilespmem:v3+s3+$0x0], $0xffff  }
0x65: {  	v4 =	vld.idx.msk [tilespmem:v4+s3+$0x0], $0xffff  }
0x66: {  	v3 =	vld.idx.msk [tilespmem:v7+s3+$0x0], $0xffff  }
0x67: {  	v2 =	vld.idx.msk [tilespmem:v8+s3+$0x0], $0xffff  }
0x68: {  	s21 =	simm.s32 $0xC0;
	v1 =	vld.idx.msk [tilespmem:v9+s3+$0x0], $0xffff;
	[tilespmem:s20+$0x1D730] =	vst v0  }
0x69: {  	s22 =	simm.s32 $0x500;
	v0 =	vld [tilespmem:s21+$0x196C0];
	[tilespmem:s20+$0x1D6C0] =	vst v10  }
.LBB2_4:
0x6a: {  	p1 =	sne.s32 s22, $0x3F00;
	v7 =	vld [tilespmem:s21+$0x19730];
	[tilespmem:s20+$0x1D6D0] =	vst v6  }
0x6b: {  	v6 =	vld [tilespmem:s21+$0x196D0];
	[tilespmem:s20+$0x1D6E0] =	vst v5  }
0x6c: {  	v5 =	vld [tilespmem:s21+$0x196E0];
	[tilespmem:s20+$0x1D6F0] =	vst v4  }
0x6d: {  	v4 =	vld [tilespmem:s21+$0x196F0];
	[tilespmem:s20+$0x1D700] =	vst v3  }
0x6e: {  	v3 =	vld [tilespmem:s21+$0x19700];
	[tilespmem:s20+$0x1D710] =	vst v2  }
0x6f: {  	v2 =	vld [tilespmem:s21+$0x19710];
	[tilespmem:s20+$0x1D720] =	vst v1;
	s20 =	smov.u32 s21  }
0x70: {  	v1 =	vld [tilespmem:s20+$0x19720]  }
0x71: {  	v8 =	vld.idx.msk [tilespmem:v0+s3+$0x0], $0xffff  }
0x72: {  	v0 =	vld.idx.msk [tilespmem:v7+s3+$0x0], $0xffff  }
0x73: {  	v6 =	vld.idx.msk [tilespmem:v6+s3+$0x0], $0xffff  }
0x74: {  	v5 =	vld.idx.msk [tilespmem:v5+s3+$0x0], $0xffff  }
.Ltmp1:
0x75: {  	v4 =	vld.idx.msk [tilespmem:v4+s3+$0x0], $0xffff;
	(pc) =	sbr.rel @p1 .LBB2_4-.Ltmp1, $4  }
0x76: {  	v3 =	vld.idx.msk [tilespmem:v3+s3+$0x0], $0xffff  }
0x77: {  	v2 =	vld.idx.msk [tilespmem:v2+s3+$0x0], $0xffff  }
0x78: {  	s21 =	sshra.s32 s22, $0x2;
	v1 =	vld.idx.msk [tilespmem:v1+s3+$0x0], $0xffff;
	[tilespmem:s20+$0x1D730] =	vst v0  }
0x79: {  	s22 =	sadd.s32 $0x200, s22;
	v0 =	vld [tilespmem:s21+$0x196C0];
	[tilespmem:s20+$0x1D6C0] =	vst v8  }
0x7a: {  	_ = 	snop  }
0x7b: {  	v7 =	vld [tilespmem:s21+$0x19730];
	[tilespmem:s20+$0x1D6D0] =	vst v6  }
0x7c: {  	v6 =	vld [tilespmem:s21+$0x196D0];
	[tilespmem:s20+$0x1D6E0] =	vst v5  }
0x7d: {  	v5 =	vld [tilespmem:s21+$0x196E0];
	[tilespmem:s20+$0x1D6F0] =	vst v4  }
0x7e: {  	v4 =	vld [tilespmem:s21+$0x196F0];
	[tilespmem:s20+$0x1D700] =	vst v3  }
0x7f: {  	v3 =	vld [tilespmem:s21+$0x19700];
	[tilespmem:s20+$0x1D710] =	vst v2  }
0x80: {  	v2 =	vld [tilespmem:s21+$0x19710];
	[tilespmem:s20+$0x1D720] =	vst v1  }
0x81: {  	v1 =	vld [tilespmem:s21+$0x19720]  }
0x82: {  	v0 =	vld.idx.msk [tilespmem:v0+s3+$0x0], $0xffff  }
0x83: {  	v7 =	vld.idx.msk [tilespmem:v7+s3+$0x0], $0xffff  }
0x84: {  	v6 =	vld.idx.msk [tilespmem:v6+s3+$0x0], $0xffff  }
0x85: {  	v5 =	vld.idx.msk [tilespmem:v5+s3+$0x0], $0xffff  }
0x86: {  	v4 =	vld.idx.msk [tilespmem:v4+s3+$0x0], $0xffff  }
0x87: {  	v3 =	vld.idx.msk [tilespmem:v3+s3+$0x0], $0xffff  }
0x88: {  	v2 =	vld.idx.msk [tilespmem:v2+s3+$0x0], $0xffff  }
0x89: {  	v1 =	vld.idx.msk [tilespmem:v1+s3+$0x0], $0xffff;
	[tilespmem:s21+$0x1D730] =	vst v7  }
0x8a: {  	[tilespmem:s21+$0x1D6C0] =	vst v0  }
0x8b: {  	[tilespmem:s21+$0x1D6D0] =	vst v6  }
0x8c: {  	[tilespmem:s21+$0x1D6E0] =	vst v5  }
0x8d: {  	[tilespmem:s21+$0x1D6F0] =	vst v4  }
0x8e: {  	[tilespmem:s21+$0x1D700] =	vst v3  }
0x8f: {  	[tilespmem:s21+$0x1D710] =	vst v2  }
0x90: {  	[tilespmem:s21+$0x1D720] =	vst v1  }
0x91: {  	[hbm4b:s6+s10] =	stream.strided.scatter [tilespmem:s17], [sflag:$0x3], $0x1000, s11, s10, $0x38;
	[tilespmem:$0x1EB00] =	vst v63  }
0x92: {  	_ =	swait.ge [sflag:s18], $0x1000  }
0x93: {  	[sflag:s18] =	ssyncset.done $0x0  }
0x94: {  	s20 =	simm.s32 $0x0;
	[sflag:s18] =	ssyncadd.s32 $0xFFFFF000  }
0x95: {  	v0 =	vld [tilespmem:s20+$0x1A700]  }
0x96: {  	v1 =	vld [tilespmem:s20+$0x1A770]  }
0x97: {  	v2 =	vld [tilespmem:s20+$0x1A710]  }
0x98: {  	v3 =	vld [tilespmem:s20+$0x1A720]  }
0x99: {  	v4 =	vld [tilespmem:s20+$0x1A730]  }
0x9a: {  	v7 =	vld [tilespmem:s20+$0x1A740]  }
0x9b: {  	v8 =	vld [tilespmem:s20+$0x1A750]  }
0x9c: {  	v9 =	vld [tilespmem:s20+$0x1A760]  }
0x9d: {  	v10 =	vld.idx.msk [tilespmem:v0+s3+$0x0], $0xffff  }
0x9e: {  	v0 =	vld.idx.msk [tilespmem:v1+s3+$0x0], $0xffff  }
0x9f: {  	v6 =	vld.idx.msk [tilespmem:v2+s3+$0x0], $0xffff  }
0xa0: {  	v5 =	vld.idx.msk [tilespmem:v3+s3+$0x0], $0xffff  }
0xa1: {  	v4 =	vld.idx.msk [tilespmem:v4+s3+$0x0], $0xffff  }
0xa2: {  	v3 =	vld.idx.msk [tilespmem:v7+s3+$0x0], $0xffff  }
0xa3: {  	v2 =	vld.idx.msk [tilespmem:v8+s3+$0x0], $0xffff  }
0xa4: {  	s21 =	simm.s32 $0x80;
	v1 =	vld.idx.msk [tilespmem:v9+s3+$0x0], $0xffff;
	[tilespmem:s20+$0x1C770] =	vst v0  }
0xa5: {  	s22 =	simm.s32 $0x400;
	v0 =	vld [tilespmem:s21+$0x1A700];
	[tilespmem:s20+$0x1C700] =	vst v10  }
.LBB2_6:
0xa6: {  	p1 =	sne.s32 s22, $0x3E00;
	v7 =	vld [tilespmem:s21+$0x1A770];
	[tilespmem:s20+$0x1C710] =	vst v6  }
0xa7: {  	v6 =	vld [tilespmem:s21+$0x1A710];
	[tilespmem:s20+$0x1C720] =	vst v5  }
0xa8: {  	v5 =	vld [tilespmem:s21+$0x1A720];
	[tilespmem:s20+$0x1C730] =	vst v4  }
0xa9: {  	v4 =	vld [tilespmem:s21+$0x1A730];
	[tilespmem:s20+$0x1C740] =	vst v3  }
0xaa: {  	v3 =	vld [tilespmem:s21+$0x1A740];
	[tilespmem:s20+$0x1C750] =	vst v2  }
0xab: {  	v2 =	vld [tilespmem:s21+$0x1A750];
	[tilespmem:s20+$0x1C760] =	vst v1;
	s20 =	smov.u32 s21  }
0xac: {  	v1 =	vld [tilespmem:s20+$0x1A760]  }
0xad: {  	v8 =	vld.idx.msk [tilespmem:v0+s3+$0x0], $0xffff  }
0xae: {  	v0 =	vld.idx.msk [tilespmem:v7+s3+$0x0], $0xffff  }
0xaf: {  	v6 =	vld.idx.msk [tilespmem:v6+s3+$0x0], $0xffff  }
0xb0: {  	v5 =	vld.idx.msk [tilespmem:v5+s3+$0x0], $0xffff  }
.Ltmp2:
0xb1: {  	v4 =	vld.idx.msk [tilespmem:v4+s3+$0x0], $0xffff;
	(pc) =	sbr.rel @p1 .LBB2_6-.Ltmp2, $4  }
0xb2: {  	v3 =	vld.idx.msk [tilespmem:v3+s3+$0x0], $0xffff  }
0xb3: {  	v2 =	vld.idx.msk [tilespmem:v2+s3+$0x0], $0xffff  }
0xb4: {  	s21 =	sshra.s32 s22, $0x2;
	v1 =	vld.idx.msk [tilespmem:v1+s3+$0x0], $0xffff;
	[tilespmem:s20+$0x1C770] =	vst v0  }
0xb5: {  	s22 =	sadd.s32 $0x200, s22;
	v0 =	vld [tilespmem:s21+$0x1A700];
	[tilespmem:s20+$0x1C700] =	vst v8  }
0xb6: {  	_ = 	snop  }
0xb7: {  	v7 =	vld [tilespmem:s21+$0x1A770];
	[tilespmem:s20+$0x1C710] =	vst v6  }
0xb8: {  	v6 =	vld [tilespmem:s21+$0x1A710];
	[tilespmem:s20+$0x1C720] =	vst v5  }
0xb9: {  	v5 =	vld [tilespmem:s21+$0x1A720];
	[tilespmem:s20+$0x1C730] =	vst v4  }
0xba: {  	v4 =	vld [tilespmem:s21+$0x1A730];
	[tilespmem:s20+$0x1C740] =	vst v3  }
0xbb: {  	v3 =	vld [tilespmem:s21+$0x1A740];
	[tilespmem:s20+$0x1C750] =	vst v2  }
0xbc: {  	v2 =	vld [tilespmem:s21+$0x1A750];
	[tilespmem:s20+$0x1C760] =	vst v1  }
0xbd: {  	v1 =	vld [tilespmem:s21+$0x1A760]  }
0xbe: {  	v0 =	vld.idx.msk [tilespmem:v0+s3+$0x0], $0xffff  }
0xbf: {  	v7 =	vld.idx.msk [tilespmem:v7+s3+$0x0], $0xffff  }
0xc0: {  	v6 =	vld.idx.msk [tilespmem:v6+s3+$0x0], $0xffff  }
0xc1: {  	v5 =	vld.idx.msk [tilespmem:v5+s3+$0x0], $0xffff  }
0xc2: {  	v4 =	vld.idx.msk [tilespmem:v4+s3+$0x0], $0xffff  }
0xc3: {  	v3 =	vld.idx.msk [tilespmem:v3+s3+$0x0], $0xffff  }
0xc4: {  	v2 =	vld.idx.msk [tilespmem:v2+s3+$0x0], $0xffff  }
0xc5: {  	v1 =	vld.idx.msk [tilespmem:v1+s3+$0x0], $0xffff;
	[tilespmem:s21+$0x1C770] =	vst v7  }
0xc6: {  	[tilespmem:s21+$0x1C700] =	vst v0  }
0xc7: {  	[tilespmem:s21+$0x1C710] =	vst v6  }
0xc8: {  	[tilespmem:s21+$0x1C720] =	vst v5  }
0xc9: {  	[tilespmem:s21+$0x1C730] =	vst v4  }
0xca: {  	[tilespmem:s21+$0x1C740] =	vst v3  }
0xcb: {  	[tilespmem:s21+$0x1C750] =	vst v2  }
0xcc: {  	[tilespmem:s21+$0x1C760] =	vst v1  }
0xcd: {  	[hbm4b:s7+s10] =	stream.strided.scatter [tilespmem:s16], [sflag:$0x3], $0x1000, s11, s10, $0x38;
	[tilespmem:$0x1EB00] =	vst v63  }
0xce: {  	_ =	swait.ge [sflag:s18], $0x1000  }
0xcf: {  	[sflag:s18] =	ssyncset.done $0x0  }
0xd0: {  	s20 =	simm.s32 $0x0;
	[sflag:s18] =	ssyncadd.s32 $0xFFFFF000  }
0xd1: {  	v0 =	vld [tilespmem:s20+$0x1B700]  }
0xd2: {  	v1 =	vld [tilespmem:s20+$0x1B770]  }
0xd3: {  	v2 =	vld [tilespmem:s20+$0x1B710]  }
0xd4: {  	v3 =	vld [tilespmem:s20+$0x1B720]  }
0xd5: {  	v4 =	vld [tilespmem:s20+$0x1B730]  }
0xd6: {  	v7 =	vld [tilespmem:s20+$0x1B740]  }
0xd7: {  	v8 =	vld [tilespmem:s20+$0x1B750]  }
0xd8: {  	v9 =	vld [tilespmem:s20+$0x1B760]  }
0xd9: {  	v10 =	vld.idx.msk [tilespmem:v0+s3+$0x0], $0xffff  }
0xda: {  	v0 =	vld.idx.msk [tilespmem:v1+s3+$0x0], $0xffff  }
0xdb: {  	v6 =	vld.idx.msk [tilespmem:v2+s3+$0x0], $0xffff  }
0xdc: {  	v5 =	vld.idx.msk [tilespmem:v3+s3+$0x0], $0xffff  }
0xdd: {  	v4 =	vld.idx.msk [tilespmem:v4+s3+$0x0], $0xffff  }
0xde: {  	v3 =	vld.idx.msk [tilespmem:v7+s3+$0x0], $0xffff  }
0xdf: {  	v2 =	vld.idx.msk [tilespmem:v8+s3+$0x0], $0xffff  }
0xe0: {  	s21 =	simm.s32 $0x80;
	v1 =	vld.idx.msk [tilespmem:v9+s3+$0x0], $0xffff;
	[tilespmem:s20+$0x1D770] =	vst v0  }
0xe1: {  	s22 =	simm.s32 $0x400;
	v0 =	vld [tilespmem:s21+$0x1B700];
	[tilespmem:s20+$0x1D700] =	vst v10  }
.LBB2_8:
0xe2: {  	p1 =	sne.s32 s22, $0x3E00;
	v7 =	vld [tilespmem:s21+$0x1B770];
	[tilespmem:s20+$0x1D710] =	vst v6  }
0xe3: {  	v6 =	vld [tilespmem:s21+$0x1B710];
	[tilespmem:s20+$0x1D720] =	vst v5  }
0xe4: {  	v5 =	vld [tilespmem:s21+$0x1B720];
	[tilespmem:s20+$0x1D730] =	vst v4  }
0xe5: {  	v4 =	vld [tilespmem:s21+$0x1B730];
	[tilespmem:s20+$0x1D740] =	vst v3  }
0xe6: {  	v3 =	vld [tilespmem:s21+$0x1B740];
	[tilespmem:s20+$0x1D750] =	vst v2  }
0xe7: {  	v2 =	vld [tilespmem:s21+$0x1B750];
	[tilespmem:s20+$0x1D760] =	vst v1;
	s20 =	smov.u32 s21  }
0xe8: {  	v1 =	vld [tilespmem:s20+$0x1B760]  }
0xe9: {  	v8 =	vld.idx.msk [tilespmem:v0+s3+$0x0], $0xffff  }
0xea: {  	v0 =	vld.idx.msk [tilespmem:v7+s3+$0x0], $0xffff  }
0xeb: {  	v6 =	vld.idx.msk [tilespmem:v6+s3+$0x0], $0xffff  }
0xec: {  	v5 =	vld.idx.msk [tilespmem:v5+s3+$0x0], $0xffff  }
.Ltmp3:
0xed: {  	v4 =	vld.idx.msk [tilespmem:v4+s3+$0x0], $0xffff;
	(pc) =	sbr.rel @p1 .LBB2_8-.Ltmp3, $4  }
0xee: {  	v3 =	vld.idx.msk [tilespmem:v3+s3+$0x0], $0xffff  }
0xef: {  	v2 =	vld.idx.msk [tilespmem:v2+s3+$0x0], $0xffff  }
0xf0: {  	s21 =	sshra.s32 s22, $0x2;
	v1 =	vld.idx.msk [tilespmem:v1+s3+$0x0], $0xffff;
	[tilespmem:s20+$0x1D770] =	vst v0  }
0xf1: {  	s22 =	sadd.s32 $0x200, s22;
	v0 =	vld [tilespmem:s21+$0x1B700];
	[tilespmem:s20+$0x1D700] =	vst v8  }
0xf2: {  	_ = 	snop  }
0xf3: {  	v7 =	vld [tilespmem:s21+$0x1B770];
	[tilespmem:s20+$0x1D710] =	vst v6  }
0xf4: {  	v6 =	vld [tilespmem:s21+$0x1B710];
	[tilespmem:s20+$0x1D720] =	vst v5  }
0xf5: {  	v5 =	vld [tilespmem:s21+$0x1B720];
	[tilespmem:s20+$0x1D730] =	vst v4  }
0xf6: {  	v4 =	vld [tilespmem:s21+$0x1B730];
	[tilespmem:s20+$0x1D740] =	vst v3  }
0xf7: {  	v3 =	vld [tilespmem:s21+$0x1B740];
	[tilespmem:s20+$0x1D750] =	vst v2  }
0xf8: {  	v2 =	vld [tilespmem:s21+$0x1B750];
	[tilespmem:s20+$0x1D760] =	vst v1  }
0xf9: {  	v1 =	vld [tilespmem:s21+$0x1B760]  }
0xfa: {  	v0 =	vld.idx.msk [tilespmem:v0+s3+$0x0], $0xffff  }
0xfb: {  	v7 =	vld.idx.msk [tilespmem:v7+s3+$0x0], $0xffff  }
0xfc: {  	v6 =	vld.idx.msk [tilespmem:v6+s3+$0x0], $0xffff  }
0xfd: {  	v5 =	vld.idx.msk [tilespmem:v5+s3+$0x0], $0xffff  }
0xfe: {  	v4 =	vld.idx.msk [tilespmem:v4+s3+$0x0], $0xffff  }
0xff: {  	v3 =	vld.idx.msk [tilespmem:v3+s3+$0x0], $0xffff  }
0x100: {  	v2 =	vld.idx.msk [tilespmem:v2+s3+$0x0], $0xffff  }
0x101: {  	v1 =	vld.idx.msk [tilespmem:v1+s3+$0x0], $0xffff;
	[tilespmem:s21+$0x1D770] =	vst v7  }
0x102: {  	[tilespmem:s21+$0x1D700] =	vst v0  }
0x103: {  	[tilespmem:s21+$0x1D710] =	vst v6  }
0x104: {  	[tilespmem:s21+$0x1D720] =	vst v5  }
0x105: {  	[tilespmem:s21+$0x1D730] =	vst v4  }
0x106: {  	[tilespmem:s21+$0x1D740] =	vst v3  }
0x107: {  	[tilespmem:s21+$0x1D750] =	vst v2  }
0x108: {  	s19 =	sadd.s32 $0x1, s19;
	[tilespmem:s21+$0x1D760] =	vst v1  }
0x109: {  	[hbm4b:s8+s10] =	stream.strided.scatter [tilespmem:s17], [sflag:$0x3], $0x1000, s11, s10, $0x38;
	[tilespmem:$0x1EB00] =	vst v63  }
0x10a: {  	p1 =	sne.s32 s19, s9;
	_ =	swait.ge [sflag:s18], $0x1000  }
.Ltmp4:
0x10b: {  	[sflag:s18] =	ssyncset.done $0x0;
	(pc) =	sbr.rel @p1 .LBB2_1-.Ltmp4, $4  }
0x10c: {  	[sflag:s18] =	ssyncadd.s32 $0xFFFFF000  }
0x10d: {  	_ =	swait.ge [sflag:s18], $0x1000  }
0x10e: {  	[sflag:s18] =	ssyncset.done $0x0  }
0x10f: {  	[sflag:s18] =	ssyncadd.s32 $0xFFFFF000  }
0x110: {  	_ =	sfence.sel $0x180000  }
0x111: {  	[bflag:$0x0] =	sbarrier.arrive $0xFFFF  }
0x112: {  	_ =	strace $0x90000047  }
0x113: {  	s0 =	sadd.s32 @!p0 $0x100000, s1;
	[bflag:$0x2] =	sbarrier.arrive $0xFFFF  }
0x114: {  	[sflag:s0] =	ssyncadd.tile.s32 @!p0 $0x1;
	_ =	shalt  }
.Lfunc_end2:
_tile_overlayer_lowered:
.L_overlay_start_2:
0x115: {  	(tag) =	ssettag $0x2  }
0x116: {  	s0 =	rddreg [dreg:$0x0];
	s2 =	stileid.u32  }
0x117: {  	s1 =	rddreg [dreg:$0x1];
	p0 =	sne.s32 s2, $0x0  }
0x118: {  	s3 =	rddreg [dreg:$0x2];
	[bflag:$0x3] =	sbarrier.arrive $0xFFFF;
	s2 =	simm.s32 @!p0 $0x1C04  }
0x119: {  	[timem:s3], [sflag:s2] =	dma.local @!p0 [hbm:s0], s1  }
0x11a: {  	s0 =	simm.s32 @!p0 $0x4  }
0x11b: {  	_ =	swait.ge @!p0 [sflag:s0], s1  }
0x11c: {  	s1 =	ssub.s32 @!p0 $0x0, s1;
	[sflag:s0] =	ssyncset.done @!p0 $0x0  }
0x11d: {  	[sflag:s0] =	ssyncadd.s32 @!p0 s1  }
0x11e: {  	[bflag:$0x3] =	sbarrier.arrive $0xFFFF  }
0x11f: {  	_ =	shalt  }

</sc_bundles>
